<compile_context>
chip_gen: v7x
topology: tpu7x:2x2x1
jax: 0.10.2.dev20260603
libtpu: 0.0.44.dev20260713+nightly
codegen_flags: <defaults>
</compile_context>

<pallas_src>
import jax
import jax.numpy as jnp
from jax.experimental import pallas as pl
from jax.experimental.pallas import tpu as pltpu

TAU = 2.0
VTH = 1.0
EPS = 1e-5
DIM = 64
NUM_HEADS = 4
N_WIN = 8
TOPK = 4


def _lif(v):
    return jnp.where(v / TAU - VTH >= 0.0, 1.0, 0.0).astype(v.dtype)


def _bn_cols(x, g, b):
    m = jnp.mean(x, axis=0, keepdims=True)
    v = jnp.mean(jnp.square(x - m), axis=0, keepdims=True)
    return (x - m) / jnp.sqrt(v + EPS) * g + b


def _tf_stack_kernel(tb, xin_ref, *args):
    wrefs = args[:30]
    out_ref = args[30]
    qkv_s = args[31]
    att_s = args[32]

    C = DIM
    H = NUM_HEADS
    dh = C // H
    N = 16
    w = N // N_WIN

    x = _lif(xin_ref[...])

    r8 = jax.lax.broadcasted_iota(jnp.int32, (8, 16), 0)
    c16 = jax.lax.broadcasted_iota(jnp.int32, (8, 16), 1)
    P = jnp.where(c16 // w == r8, 1.0 / w, 0.0)
    r16 = jax.lax.broadcasted_iota(jnp.int32, (16, 8), 0)
    c8 = jax.lax.broadcasted_iota(jnp.int32, (16, 8), 1)
    E = jnp.where(r16 // w == c8, 1.0, 0.0)
    colj = jax.lax.broadcasted_iota(jnp.int32, (8, 8), 1)

    for blk in range(3):
        g1, b1, Wqkv, Wo, g2, b2, W1, bb1, W2, bb2 = wrefs[blk * 10:(blk + 1) * 10]
        y = _bn_cols(x, g1[...], b1[...])
        qkv_s[...] = jnp.dot(y, Wqkv[...], preferred_element_type=jnp.float32)

        def body(t, carry):
            base = t * N
            qt = qkv_s[pl.ds(base, N), 0:C]
            kt = qkv_s[pl.ds(base, N), C:2 * C]
            vt = qkv_s[pl.ds(base, N), 2 * C:3 * C]
            qp = jnp.dot(P, qt, preferred_element_type=jnp.float32)
            kp = jnp.dot(P, kt, preferred_element_type=jnp.float32)
            r = jax.lax.dot_general(qp, kp, (((1,), (1,)), ((), ())),
                                    preferred_element_type=jnp.float32)
            cnt = jnp.zeros((8, 8), jnp.float32)
            for kk in range(8):
                rk = r[:, kk:kk + 1]
                gt = jnp.where(rk > r, 1.0, 0.0)
                eq = jnp.where((rk == r) & (colj > kk), 1.0, 0.0)
                cnt = cnt + gt + eq
            keep = jnp.where(cnt < float(TOPK), 1.0, 0.0)
            mtok = jax.lax.dot_general(
                jnp.dot(E, keep, preferred_element_type=jnp.float32), E,
                (((1,), (1,)), ((), ())), preferred_element_type=jnp.float32)
            amask = (mtok - 1.0) * 1e30
            for h in range(H):
                qh = qt[:, h * dh:(h + 1) * dh]
                kh = kt[:, h * dh:(h + 1) * dh]
                vh = vt[:, h * dh:(h + 1) * dh]
                s = jax.lax.dot_general(qh, kh, (((1,), (1,)), ((), ())),
                                        preferred_element_type=jnp.float32)
                s = s / 4.0 + amask
                s = s - jnp.max(s, axis=1, keepdims=True)
                e = jnp.exp(s)
                p = e / jnp.sum(e, axis=1, keepdims=True)
                att_s[pl.ds(base, N), h * dh:(h + 1) * dh] = jnp.dot(
                    p, vh, preferred_element_type=jnp.float32)
            return carry

        jax.lax.fori_loop(0, tb, body, 0)
        x = x + jnp.dot(att_s[...], Wo[...], preferred_element_type=jnp.float32)
        z = _bn_cols(x, g2[...], b2[...])
        f = _lif(jnp.dot(z, W1[...], preferred_element_type=jnp.float32) + bb1[...])
        x = x + _lif(jnp.dot(f, W2[...], preferred_element_type=jnp.float32) + bb2[...])

    out_ref[...] = x


def _tf_stack(xsnn_pre, blocks):
    rows = xsnn_pre.shape[0]
    tb = rows // 16
    wargs = []
    for blk in blocks:
        wargs += [blk['bn1_g'].reshape(1, DIM), blk['bn1_b'].reshape(1, DIM),
                  blk['Wqkv'], blk['Wo'],
                  blk['bn2_g'].reshape(1, DIM), blk['bn2_b'].reshape(1, DIM),
                  blk['ffn1_w'], blk['ffn1_b'].reshape(1, 4 * DIM),
                  blk['ffn2_w'], blk['ffn2_b'].reshape(1, DIM)]
    import functools
    return pl.pallas_call(
        functools.partial(_tf_stack_kernel, tb),
        out_shape=jax.ShapeDtypeStruct((rows, DIM), jnp.float32),
        scratch_shapes=[pltpu.VMEM((rows, 3 * DIM), jnp.float32),
                        pltpu.VMEM((rows, DIM), jnp.float32)],
    )(xsnn_pre, *wargs)


def _conv3d(x, w, b, stride, padding):
    y = jax.lax.conv_general_dilated(x, w, window_strides=stride, padding=padding,
                                     dimension_numbers=('NCDHW', 'OIDHW', 'NCDHW'))
    return y + b[None, :, None, None, None]


def _bn3d(x, g, b):
    m = x.mean(axis=(0, 2, 3, 4), keepdims=True)
    v = x.var(axis=(0, 2, 3, 4), keepdims=True)
    return (x - m) / jnp.sqrt(v + EPS) * g[None, :, None, None, None] + b[None, :, None, None, None]


def _maxpool_122(x):
    return jax.lax.reduce_window(x, -jnp.inf, jax.lax.max, (1, 1, 1, 2, 2), (1, 1, 1, 2, 2), 'VALID')


def kernel(x, params):
    p = params
    b = x.shape[0]
    x = _conv3d(x, p['stem0_w'], p['stem0_b'], (1, 1, 1), [(0, 0), (2, 2), (2, 2)])
    x = jax.nn.relu(_bn3d(x, p['stem0_g'], p['stem0_be']))
    x = _maxpool_122(x)
    x = _conv3d(x, p['stem1_w'], p['stem1_b'], (1, 1, 1), [(1, 1), (1, 1), (1, 1)])
    x = jax.nn.relu(_bn3d(x, p['stem1_g'], p['stem1_be']))
    x = _maxpool_122(x)
    x = _conv3d(x, p['stem2_w'], p['stem2_b'], (1, 1, 1), [(1, 1), (1, 1), (1, 1)])
    x = jax.nn.relu(_bn3d(x, p['stem2_g'], p['stem2_be']))
    x = _maxpool_122(x)
    x = _conv3d(x, p['pe_w'], p['pe_b'], (4, 4, 4), [(0, 0), (0, 0), (0, 0)])
    Lt, Lh, Lw = x.shape[2], x.shape[3], x.shape[4]
    N = Lh * Lw
    xp = jnp.transpose(x, (2, 0, 3, 4, 1)).reshape(Lt * b * N, DIM)

    xs = _tf_stack(xp, p['blocks'])

    x_out = jnp.transpose(xs.reshape(Lt, b, N, DIM), (1, 3, 0, 2)).reshape(b, DIM, Lt, Lh, Lw)
    u = jnp.repeat(x_out, 2, axis=2)
    u = _conv3d(u, p['up1_w'], p['up1_b'], (1, 1, 1), [(1, 1), (0, 0), (0, 0)])
    u = jax.nn.elu(_bn3d(u, p['up1_g'], p['up1_be']))
    u = jnp.repeat(u, 2, axis=2)
    u = _conv3d(u, p['up2_w'], p['up2_b'], (1, 1, 1), [(1, 1), (0, 0), (0, 0)])
    u = jax.nn.elu(_bn3d(u, p['up2_g'], p['up2_be']))
    fm = u.mean(axis=3).mean(axis=3)
    rppg = jnp.einsum('oc,bct->bot', p['last_w'][:, :, 0], fm) + p['last_b'][None, :, None]
    return rppg[:, 0, :]

# --- scband reference (transcript-rebuilt; emitter-appended) ---
"""Pipeline reference for scband-phys-biformer-53223234732604 (READ-ONLY COPY).

The authoritative reference and input builder live on the scoring server;
editing this copy changes nothing except your own understanding.
"""

import jax, jax.numpy as jnp
import numpy as np

TAU = 2.0
VTH = 1.0
ALPHA = 2.0
EPS = 1e-5
DIM = 64
NUM_HEADS = 4
N_WIN = 8
TOPK = 4

@jax.custom_vjp
def heaviside_atan(x):
    return (x >= 0.0).astype(x.dtype)

def _h_fwd(x):
    return heaviside_atan(x), x

def _h_bwd(res, g):
    x = res
    return (g * (ALPHA / 2.0) / (1.0 + (jnp.pi / 2.0 * ALPHA * x) ** 2),)

heaviside_atan.defvjp(_h_fwd, _h_bwd)

def lif(x):
    # single-step LIF (spikingjelly default tau=2.0, v starts at 0): v = x/tau, spike = H(v - v_th)
    return heaviside_atan(x / TAU - VTH)

def conv3d(x, w, b, stride, padding):
    y = jax.lax.conv_general_dilated(x, w, window_strides=stride, padding=padding, dimension_numbers=('NCDHW', 'OIDHW', 'NCDHW'))
    return y + b[None, :, None, None, None]

def bn3d(x, g, b):
    m = x.mean(axis=(0, 2, 3, 4), keepdims=True)
    v = x.var(axis=(0, 2, 3, 4), keepdims=True)
    return (x - m) / jnp.sqrt(v + EPS) * g[None, :, None, None, None] + b[None, :, None, None, None]

def bn1d(x, g, b):
    m = x.mean(axis=(0, 2), keepdims=True)
    v = x.var(axis=(0, 2), keepdims=True)
    return (x - m) / jnp.sqrt(v + EPS) * g[None, :, None] + b[None, :, None]

def maxpool_122(x):
    return jax.lax.reduce_window(x, -jnp.inf, jax.lax.max, (1, 1, 1, 2, 2), (1, 1, 1, 2, 2), 'VALID')

def bra_attention(x, Wqkv, Wo):
    # bi-level routing attention: window-pooled routing scores -> top-k window gather -> dense attn
    T, B, N, C = x.shape
    TB = T * B
    x2 = x.reshape(TB, N, C)
    qkv = x2 @ Wqkv
    q, k, v = jnp.split(qkv, 3, axis=-1)
    w = N // N_WIN
    qw = q.reshape(TB, N_WIN, w, C)
    kw = k.reshape(TB, N_WIN, w, C)
    vw = v.reshape(TB, N_WIN, w, C)
    q_pool = qw.mean(axis=2)
    k_pool = kw.mean(axis=2)
    r = q_pool @ jnp.swapaxes(k_pool, -1, -2)
    _, idx = jax.lax.top_k(r, TOPK)
    bidx = jnp.arange(TB)[:, None, None]
    kg = kw[bidx, idx].reshape(TB, N_WIN, TOPK * w, C)
    vg = vw[bidx, idx].reshape(TB, N_WIN, TOPK * w, C)
    dh = C // NUM_HEADS
    qh = qw.reshape(TB, N_WIN, w, NUM_HEADS, dh).transpose(0, 1, 3, 2, 4)
    kh = kg.reshape(TB, N_WIN, TOPK * w, NUM_HEADS, dh).transpose(0, 1, 3, 2, 4)
    vh = vg.reshape(TB, N_WIN, TOPK * w, NUM_HEADS, dh).transpose(0, 1, 3, 2, 4)
    att = (qh @ jnp.swapaxes(kh, -1, -2)) / jnp.sqrt(float(dh))
    att = jax.nn.softmax(att, axis=-1)
    out = (att @ vh).transpose(0, 1, 3, 2, 4).reshape(TB, N, C)
    return (out @ Wo).reshape(T, B, N, C)

def forward(x, params):
    p = params
    b = x.shape[0]
    x = conv3d(x, p['stem0_w'], p['stem0_b'], (1, 1, 1), [(0, 0), (2, 2), (2, 2)])
    x = jax.nn.relu(bn3d(x, p['stem0_g'], p['stem0_be']))
    x = maxpool_122(x)
    x = conv3d(x, p['stem1_w'], p['stem1_b'], (1, 1, 1), [(1, 1), (1, 1), (1, 1)])
    x = jax.nn.relu(bn3d(x, p['stem1_g'], p['stem1_be']))
    x = maxpool_122(x)
    x = conv3d(x, p['stem2_w'], p['stem2_b'], (1, 1, 1), [(1, 1), (1, 1), (1, 1)])
    x = jax.nn.relu(bn3d(x, p['stem2_g'], p['stem2_be']))
    x = maxpool_122(x)
    x = conv3d(x, p['pe_w'], p['pe_b'], (4, 4, 4), [(0, 0), (0, 0), (0, 0)])
    Lt, Lh, Lw = x.shape[2], x.shape[3], x.shape[4]
    N = Lh * Lw
    x_snn = jnp.transpose(x, (2, 0, 3, 4, 1)).reshape(Lt, b, N, DIM)
    x_snn = lif(x_snn)
    for blk in p['blocks']:
        identity = x_snn
        y = jnp.transpose(x_snn, (0, 1, 3, 2))
        orig = y.shape
        y = bn1d(y.reshape(-1, DIM, N), blk['bn1_g'], blk['bn1_b'])
        y = jnp.transpose(y.reshape(orig), (0, 1, 3, 2))
        y = bra_attention(y, blk['Wqkv'], blk['Wo'])
        x_snn = identity + y
        identity = x_snn
        y = jnp.transpose(x_snn, (0, 1, 3, 2))
        y = bn1d(y.reshape(-1, DIM, N), blk['bn2_g'], blk['bn2_b'])
        y = jnp.transpose(y.reshape(orig), (0, 1, 3, 2))
        y = lif(y @ blk['ffn1_w'] + blk['ffn1_b'])
        y = lif(y @ blk['ffn2_w'] + blk['ffn2_b'])
        x_snn = identity + y
    x_out = jnp.transpose(x_snn, (1, 3, 0, 2)).reshape(b, DIM, Lt, Lh, Lw)
    u = jnp.repeat(x_out, 2, axis=2)
    u = conv3d(u, p['up1_w'], p['up1_b'], (1, 1, 1), [(1, 1), (0, 0), (0, 0)])
    u = jax.nn.elu(bn3d(u, p['up1_g'], p['up1_be']))
    u = jnp.repeat(u, 2, axis=2)
    u = conv3d(u, p['up2_w'], p['up2_b'], (1, 1, 1), [(1, 1), (0, 0), (0, 0)])
    u = jax.nn.elu(bn3d(u, p['up2_g'], p['up2_be']))
    fm = u.mean(axis=3).mean(axis=3)
    rppg = jnp.einsum('oc,bct->bot', p['last_w'][:, :, 0], fm) + p['last_b'][None, :, None]
    return rppg[:, 0, :]

def setup_inputs(seed=0):
    key = jax.random.key(seed)
    keys = iter(jax.random.split(key, 64))
    def nrm(shape, scale=0.05):
        return jax.random.normal(next(keys), shape, dtype=jnp.float32) * scale
    blocks = []
    for i in range(3):
        blocks.append({'bn1_g': jnp.ones((DIM,), jnp.float32), 'bn1_b': jnp.zeros((DIM,), jnp.float32), 'Wqkv': nrm((DIM, 3 * DIM), 0.1), 'Wo': nrm((DIM, DIM), 0.1), 'bn2_g': jnp.ones((DIM,), jnp.float32), 'bn2_b': jnp.zeros((DIM,), jnp.float32), 'ffn1_w': nrm((DIM, 4 * DIM), 0.1), 'ffn1_b': jnp.zeros((4 * DIM,), jnp.float32), 'ffn2_w': nrm((4 * DIM, DIM), 0.1), 'ffn2_b': jnp.zeros((DIM,), jnp.float32)})
    params = {'stem0_w': nrm((16, 3, 1, 5, 5), 0.1), 'stem0_b': jnp.zeros((16,), jnp.float32), 'stem0_g': jnp.ones((16,), jnp.float32), 'stem0_be': jnp.zeros((16,), jnp.float32), 'stem1_w': nrm((32, 16, 3, 3, 3), 0.05), 'stem1_b': jnp.zeros((32,), jnp.float32), 'stem1_g': jnp.ones((32,), jnp.float32), 'stem1_be': jnp.zeros((32,), jnp.float32), 'stem2_w': nrm((64, 32, 3, 3, 3), 0.05), 'stem2_b': jnp.zeros((64,), jnp.float32), 'stem2_g': jnp.ones((64,), jnp.float32), 'stem2_be': jnp.zeros((64,), jnp.float32), 'pe_w': nrm((64, 64, 4, 4, 4), 0.05), 'pe_b': jnp.zeros((64,), jnp.float32), 'blocks': blocks, 'up1_w': nrm((64, 64, 3, 1, 1), 0.1), 'up1_b': jnp.zeros((64,), jnp.float32), 'up1_g': jnp.ones((64,), jnp.float32), 'up1_be': jnp.zeros((64,), jnp.float32), 'up2_w': nrm((32, 64, 3, 1, 1), 0.1), 'up2_b': jnp.zeros((32,), jnp.float32), 'up2_g': jnp.ones((32,), jnp.float32), 'up2_be': jnp.zeros((32,), jnp.float32), 'last_w': nrm((1, 32, 1), 0.1), 'last_b': jnp.zeros((1,), jnp.float32)}
    x = jax.random.normal(next(keys), (1, 3, 160, 128, 128), dtype=jnp.float32)
    return {'x': x, 'params': params}

def reference(x, params):
    return forward(x, params)

if __name__ == "__main__":
    import jax
    _d = setup_inputs()
    print(jax.jit(kernel)(*tuple(_d.values())))

</pallas_src>

<mosaic_0001>
module attributes {stable_mosaic.version = 14 : i64} {
  func.func @_tf_stack_kernel(%arg0: memref<640x64xf32, #tpu.memory_space<vmem>>, %arg1: memref<1x64xf32, #tpu.memory_space<vmem>>, %arg2: memref<1x64xf32, #tpu.memory_space<vmem>>, %arg3: memref<64x192xf32, #tpu.memory_space<vmem>>, %arg4: memref<64x64xf32, #tpu.memory_space<vmem>>, %arg5: memref<1x64xf32, #tpu.memory_space<vmem>>, %arg6: memref<1x64xf32, #tpu.memory_space<vmem>>, %arg7: memref<64x256xf32, #tpu.memory_space<vmem>>, %arg8: memref<1x256xf32, #tpu.memory_space<vmem>>, %arg9: memref<256x64xf32, #tpu.memory_space<vmem>>, %arg10: memref<1x64xf32, #tpu.memory_space<vmem>>, %arg11: memref<1x64xf32, #tpu.memory_space<vmem>>, %arg12: memref<1x64xf32, #tpu.memory_space<vmem>>, %arg13: memref<64x192xf32, #tpu.memory_space<vmem>>, %arg14: memref<64x64xf32, #tpu.memory_space<vmem>>, %arg15: memref<1x64xf32, #tpu.memory_space<vmem>>, %arg16: memref<1x64xf32, #tpu.memory_space<vmem>>, %arg17: memref<64x256xf32, #tpu.memory_space<vmem>>, %arg18: memref<1x256xf32, #tpu.memory_space<vmem>>, %arg19: memref<256x64xf32, #tpu.memory_space<vmem>>, %arg20: memref<1x64xf32, #tpu.memory_space<vmem>>, %arg21: memref<1x64xf32, #tpu.memory_space<vmem>>, %arg22: memref<1x64xf32, #tpu.memory_space<vmem>>, %arg23: memref<64x192xf32, #tpu.memory_space<vmem>>, %arg24: memref<64x64xf32, #tpu.memory_space<vmem>>, %arg25: memref<1x64xf32, #tpu.memory_space<vmem>>, %arg26: memref<1x64xf32, #tpu.memory_space<vmem>>, %arg27: memref<64x256xf32, #tpu.memory_space<vmem>>, %arg28: memref<1x256xf32, #tpu.memory_space<vmem>>, %arg29: memref<256x64xf32, #tpu.memory_space<vmem>>, %arg30: memref<1x64xf32, #tpu.memory_space<vmem>>, %arg31: memref<640x64xf32, #tpu.memory_space<vmem>>, %arg32: memref<640x192xf32, #tpu.memory_space<vmem>>, %arg33: memref<640x64xf32, #tpu.memory_space<vmem>>) attributes {dimension_semantics = [], scalar_prefetch = 0 : i64, scratch_operands = 2 : i64, tpu.core_type = #tpu.core_type<tc>} {
    %get3A = arith.constant 0 : index
    %get3A_0 = arith.constant 0 : index
    %get3A_1 = vector.load %arg0[%get3A, %get3A_0] : memref<640x64xf32, #tpu.memory_space<vmem>>, vector<640x64xf32>
    %div3A = arith.constant 2.000000e+00 : f32
    %div3A_2 = vector.broadcast %div3A : f32 to vector<640x64xf32>
    %div3A_3 = arith.divf %get3A_1, %div3A_2 : vector<640x64xf32>
    %sub3A = arith.constant 1.000000e+00 : f32
    %sub3A_4 = vector.broadcast %sub3A : f32 to vector<640x64xf32>
    %sub3A_5 = arith.subf %div3A_3, %sub3A_4 : vector<640x64xf32>
    %ge3A = arith.constant 0.000000e+00 : f32
    %ge3A_6 = vector.broadcast %ge3A : f32 to vector<640x64xf32>
    %ge3A_7 = arith.cmpf oge, %sub3A_5, %ge3A_6 : vector<640x64xf32>
    %jit3A = arith.constant 1.000000e+00 : f32
    %jit3A_8 = arith.constant 0.000000e+00 : f32
    %broadcast_in_dim3A = vector.broadcast %jit3A : f32 to vector<640x64xf32>
    %broadcast_in_dim3A_9 = vector.broadcast %jit3A_8 : f32 to vector<640x64xf32>
    %select_n3A = arith.select %ge3A_7, %broadcast_in_dim3A, %broadcast_in_dim3A_9 : vector<640x64xi1>, vector<640x64xf32>
    %iota3A = tpu.iota {dimensions = array<i32: 0>} : vector<8x16xi32>
    %iota3A_10 = tpu.iota {dimensions = array<i32: 1>} : vector<8x16xi32>
    %jit3A_11 = arith.constant 2 : i32
    %div3A_12 = vector.broadcast %jit3A_11 : i32 to vector<8x16xi32>
    %div3A_13 = arith.divsi %iota3A_10, %div3A_12 : vector<8x16xi32>
    %sign3A = arith.constant 0 : i32
    %sign3A_14 = vector.broadcast %sign3A : i32 to vector<8x16xi32>
    %sign3A_15 = arith.cmpi sgt, %iota3A_10, %sign3A_14 : vector<8x16xi32>
    %sign3A_16 = arith.extui %sign3A_15 : vector<8x16xi1> to vector<8x16xi32>
    %sign3A_17 = arith.constant 0 : i32
    %sign3A_18 = vector.broadcast %sign3A_17 : i32 to vector<8x16xi32>
    %sign3A_19 = arith.cmpi slt, %iota3A_10, %sign3A_18 : vector<8x16xi32>
    %sign3A_20 = arith.extui %sign3A_19 : vector<8x16xi1> to vector<8x16xi32>
    %sign3A_21 = arith.subi %sign3A_16, %sign3A_20 : vector<8x16xi32>
    %sign3A_22 = arith.constant 0 : i32
    %sign3A_23 = arith.cmpi sgt, %jit3A_11, %sign3A_22 : i32
    %sign3A_24 = arith.extui %sign3A_23 : i1 to i32
    %sign3A_25 = arith.constant 0 : i32
    %sign3A_26 = arith.cmpi slt, %jit3A_11, %sign3A_25 : i32
    %sign3A_27 = arith.extui %sign3A_26 : i1 to i32
    %sign3A_28 = arith.subi %sign3A_24, %sign3A_27 : i32
    %ne3A = vector.broadcast %sign3A_28 : i32 to vector<8x16xi32>
    %ne3A_29 = arith.cmpi ne, %sign3A_21, %ne3A : vector<8x16xi32>
    %rem3A = vector.broadcast %jit3A_11 : i32 to vector<8x16xi32>
    %rem3A_30 = arith.remsi %iota3A_10, %rem3A : vector<8x16xi32>
    %ne3A_31 = arith.constant 0 : i32
    %ne3A_32 = vector.broadcast %ne3A_31 : i32 to vector<8x16xi32>
    %ne3A_33 = arith.cmpi ne, %rem3A_30, %ne3A_32 : vector<8x16xi32>
    %and3A = arith.andi %ne3A_29, %ne3A_33 : vector<8x16xi1>
    %sub3A_34 = arith.constant 1 : i32
    %sub3A_35 = vector.broadcast %sub3A_34 : i32 to vector<8x16xi32>
    %sub3A_36 = arith.subi %div3A_13, %sub3A_35 : vector<8x16xi32>
    %select_n3A_37 = arith.select %and3A, %sub3A_36, %div3A_13 : vector<8x16xi1>, vector<8x16xi32>
    %eq3A = arith.cmpi eq, %select_n3A_37, %iota3A : vector<8x16xi32>
    %jit3A_38 = arith.constant 5.000000e-01 : f32
    %jit3A_39 = arith.constant 0.000000e+00 : f32
    %broadcast_in_dim3A_40 = vector.broadcast %jit3A_38 : f32 to vector<8x16xf32>
    %broadcast_in_dim3A_41 = vector.broadcast %jit3A_39 : f32 to vector<8x16xf32>
    %select_n3A_42 = arith.select %eq3A, %broadcast_in_dim3A_40, %broadcast_in_dim3A_41 : vector<8x16xi1>, vector<8x16xf32>
    %iota3A_43 = tpu.iota {dimensions = array<i32: 0>} : vector<16x8xi32>
    %iota3A_44 = tpu.iota {dimensions = array<i32: 1>} : vector<16x8xi32>
    %jit3A_45 = arith.constant 2 : i32
    %div3A_46 = vector.broadcast %jit3A_45 : i32 to vector<16x8xi32>
    %div3A_47 = arith.divsi %iota3A_43, %div3A_46 : vector<16x8xi32>
    %sign3A_48 = arith.constant 0 : i32
    %sign3A_49 = vector.broadcast %sign3A_48 : i32 to vector<16x8xi32>
    %sign3A_50 = arith.cmpi sgt, %iota3A_43, %sign3A_49 : vector<16x8xi32>
    %sign3A_51 = arith.extui %sign3A_50 : vector<16x8xi1> to vector<16x8xi32>
    %sign3A_52 = arith.constant 0 : i32
    %sign3A_53 = vector.broadcast %sign3A_52 : i32 to vector<16x8xi32>
    %sign3A_54 = arith.cmpi slt, %iota3A_43, %sign3A_53 : vector<16x8xi32>
    %sign3A_55 = arith.extui %sign3A_54 : vector<16x8xi1> to vector<16x8xi32>
    %sign3A_56 = arith.subi %sign3A_51, %sign3A_55 : vector<16x8xi32>
    %sign3A_57 = arith.constant 0 : i32
    %sign3A_58 = arith.cmpi sgt, %jit3A_45, %sign3A_57 : i32
    %sign3A_59 = arith.extui %sign3A_58 : i1 to i32
    %sign3A_60 = arith.constant 0 : i32
    %sign3A_61 = arith.cmpi slt, %jit3A_45, %sign3A_60 : i32
    %sign3A_62 = arith.extui %sign3A_61 : i1 to i32
    %sign3A_63 = arith.subi %sign3A_59, %sign3A_62 : i32
    %ne3A_64 = vector.broadcast %sign3A_63 : i32 to vector<16x8xi32>
    %ne3A_65 = arith.cmpi ne, %sign3A_56, %ne3A_64 : vector<16x8xi32>
    %rem3A_66 = vector.broadcast %jit3A_45 : i32 to vector<16x8xi32>
    %rem3A_67 = arith.remsi %iota3A_43, %rem3A_66 : vector<16x8xi32>
    %ne3A_68 = arith.constant 0 : i32
    %ne3A_69 = vector.broadcast %ne3A_68 : i32 to vector<16x8xi32>
    %ne3A_70 = arith.cmpi ne, %rem3A_67, %ne3A_69 : vector<16x8xi32>
    %and3A_71 = arith.andi %ne3A_65, %ne3A_70 : vector<16x8xi1>
    %sub3A_72 = arith.constant 1 : i32
    %sub3A_73 = vector.broadcast %sub3A_72 : i32 to vector<16x8xi32>
    %sub3A_74 = arith.subi %div3A_47, %sub3A_73 : vector<16x8xi32>
    %select_n3A_75 = arith.select %and3A_71, %sub3A_74, %div3A_47 : vector<16x8xi1>, vector<16x8xi32>
    %eq3A_76 = arith.cmpi eq, %select_n3A_75, %iota3A_44 : vector<16x8xi32>
    %jit3A_77 = arith.constant 1.000000e+00 : f32
    %jit3A_78 = arith.constant 0.000000e+00 : f32
    %broadcast_in_dim3A_79 = vector.broadcast %jit3A_77 : f32 to vector<16x8xf32>
    %broadcast_in_dim3A_80 = vector.broadcast %jit3A_78 : f32 to vector<16x8xf32>
    %select_n3A_81 = arith.select %eq3A_76, %broadcast_in_dim3A_79, %broadcast_in_dim3A_80 : vector<16x8xi1>, vector<16x8xf32>
    %iota3A_82 = tpu.iota {dimensions = array<i32: 1>} : vector<8x8xi32>
    %get3A_83 = arith.constant 0 : index
    %get3A_84 = arith.constant 0 : index
    %get3A_85 = vector.load %arg1[%get3A_83, %get3A_84] : memref<1x64xf32, #tpu.memory_space<vmem>>, vector<1x64xf32>
    %get3A_86 = arith.constant 0 : index
    %get3A_87 = arith.constant 0 : index
    %get3A_88 = vector.load %arg2[%get3A_86, %get3A_87] : memref<1x64xf32, #tpu.memory_space<vmem>>, vector<1x64xf32>
    %reduce_sum3A = arith.constant dense<0.000000e+00> : vector<64xf32>
    %reduce_sum3A_89 = vector.multi_reduction <add>, %select_n3A, %reduce_sum3A [0] : vector<640x64xf32> to vector<64xf32>
    %broadcast_in_dim3A_90 = vector.shape_cast %reduce_sum3A_89 : vector<64xf32> to vector<1x64xf32>
    %div3A_91 = arith.constant 6.400000e+02 : f32
    %div3A_92 = vector.broadcast %div3A_91 : f32 to vector<1x64xf32>
    %div3A_93 = arith.divf %broadcast_in_dim3A_90, %div3A_92 : vector<1x64xf32>
    %sub3A_94 = vector.broadcast %div3A_93 : vector<1x64xf32> to vector<640x64xf32>
    %sub3A_95 = arith.subf %select_n3A, %sub3A_94 : vector<640x64xf32>
    %square3A = arith.mulf %sub3A_95, %sub3A_95 : vector<640x64xf32>
    %reduce_sum3A_96 = arith.constant dense<0.000000e+00> : vector<64xf32>
    %reduce_sum3A_97 = vector.multi_reduction <add>, %square3A, %reduce_sum3A_96 [0] : vector<640x64xf32> to vector<64xf32>
    %broadcast_in_dim3A_98 = vector.shape_cast %reduce_sum3A_97 : vector<64xf32> to vector<1x64xf32>
    %div3A_99 = arith.constant 6.400000e+02 : f32
    %div3A_100 = vector.broadcast %div3A_99 : f32 to vector<1x64xf32>
    %div3A_101 = arith.divf %broadcast_in_dim3A_98, %div3A_100 : vector<1x64xf32>
    %sub3A_102 = vector.broadcast %div3A_93 : vector<1x64xf32> to vector<640x64xf32>
    %sub3A_103 = arith.subf %select_n3A, %sub3A_102 : vector<640x64xf32>
    %add3A = arith.constant 9.99999974E-6 : f32
    %add3A_104 = vector.broadcast %add3A : f32 to vector<1x64xf32>
    %add3A_105 = arith.addf %div3A_101, %add3A_104 : vector<1x64xf32>
    %sqrt3A = math.sqrt %add3A_105 : vector<1x64xf32>
    %div3A_106 = vector.broadcast %sqrt3A : vector<1x64xf32> to vector<640x64xf32>
    %div3A_107 = arith.divf %sub3A_103, %div3A_106 : vector<640x64xf32>
    %mul3A = vector.broadcast %get3A_85 : vector<1x64xf32> to vector<640x64xf32>
    %mul3A_108 = arith.mulf %div3A_107, %mul3A : vector<640x64xf32>
    %add3A_109 = vector.broadcast %get3A_88 : vector<1x64xf32> to vector<640x64xf32>
    %add3A_110 = arith.addf %mul3A_108, %add3A_109 : vector<640x64xf32>
    %get3A_111 = arith.constant 0 : index
    %get3A_112 = arith.constant 0 : index
    %get3A_113 = vector.load %arg3[%get3A_111, %get3A_112] : memref<64x192xf32, #tpu.memory_space<vmem>>, vector<64x192xf32>
    %dot_general3A = arith.constant dense<0.000000e+00> : vector<640x192xf32>
    %dot_general3A_114 = tpu.matmul %add3A_110, %get3A_113, %dot_general3A {dimension_numbers = #tpu.dot_dimension_numbers<[1], [0], [0], [1], [0, 0, 1, 1], [], []>, transpose_lhs_hint = false} : vector<640x64xf32>, vector<64x192xf32>, vector<640x192xf32> -> vector<640x192xf32>
    %swap3A = arith.constant 0 : index
    %swap3A_115 = arith.constant 0 : index
    %swap3A_116 = vector.load %arg32[%swap3A, %swap3A_115] : memref<640x192xf32, #tpu.memory_space<vmem>>, vector<640x192xf32>
    tpu.vector_store %arg32[%swap3A, %swap3A_115], %dot_general3A_114 {strides = array<i32>} : memref<640x192xf32, #tpu.memory_space<vmem>>, vector<640x192xf32>,
    %scan3A = arith.constant 0 : i32
    %scan3A_117 = arith.constant 40 : i32
    %scan3A_118 = arith.addi %scan3A, %scan3A_117 : i32
    %scan3A_119 = arith.constant 1 : i32
    scf.for %scan3A_489 = %scan3A to %scan3A_118 step %scan3A_119  : i32 {
      %mul3A_490 = arith.constant 16 : i32
      %mul3A_491 = arith.muli %scan3A_489, %mul3A_490 : i32
      %get3A_492 = arith.index_cast %mul3A_491 : i32 to index
      %get3A_493 = arith.constant 0 : index
      %get3A_494 = vector.load %arg32[%get3A_492, %get3A_493] : memref<640x192xf32, #tpu.memory_space<vmem>>, vector<16x64xf32>
      %get3A_495 = arith.index_cast %mul3A_491 : i32 to index
      %get3A_496 = arith.constant 64 : index
      %get3A_497 = vector.load %arg32[%get3A_495, %get3A_496] : memref<640x192xf32, #tpu.memory_space<vmem>>, vector<16x64xf32>
      %get3A_498 = arith.index_cast %mul3A_491 : i32 to index
      %get3A_499 = arith.constant 128 : index
      %get3A_500 = vector.load %arg32[%get3A_498, %get3A_499] : memref<640x192xf32, #tpu.memory_space<vmem>>, vector<16x64xf32>
      %dot_general3A_501 = arith.constant dense<0.000000e+00> : vector<8x64xf32>
      %dot_general3A_502 = tpu.matmul %select_n3A_42, %get3A_494, %dot_general3A_501 {dimension_numbers = #tpu.dot_dimension_numbers<[1], [0], [0], [1], [0, 0, 1, 1], [], []>, transpose_lhs_hint = false} : vector<8x16xf32>, vector<16x64xf32>, vector<8x64xf32> -> vector<8x64xf32>
      %dot_general3A_503 = arith.constant dense<0.000000e+00> : vector<8x64xf32>
      %dot_general3A_504 = tpu.matmul %select_n3A_42, %get3A_497, %dot_general3A_503 {dimension_numbers = #tpu.dot_dimension_numbers<[1], [0], [0], [1], [0, 0, 1, 1], [], []>, transpose_lhs_hint = false} : vector<8x16xf32>, vector<16x64xf32>, vector<8x64xf32> -> vector<8x64xf32>
      %dot_general3A_505 = arith.constant dense<0.000000e+00> : vector<8x8xf32>
      %dot_general3A_506 = tpu.matmul %dot_general3A_502, %dot_general3A_504, %dot_general3A_505 {dimension_numbers = #tpu.dot_dimension_numbers<[1], [1], [0], [0], [0, 0, 1, 0], [], []>, transpose_lhs_hint = false} : vector<8x64xf32>, vector<8x64xf32>, vector<8x8xf32> -> vector<8x8xf32>
      %broadcast_in_dim3A_507 = arith.constant 0.000000e+00 : f32
      %broadcast_in_dim3A_508 = vector.broadcast %broadcast_in_dim3A_507 : f32 to vector<8x8xf32>
      %slice3A = vector.extract_strided_slice %dot_general3A_506 {offsets = [0, 0], sizes = [8, 1], strides = [1, 1]} : vector<8x8xf32> to vector<8x1xf32>
      %gt3A = vector.broadcast %slice3A : vector<8x1xf32> to vector<8x8xf32>
      %gt3A_509 = arith.cmpf ogt, %gt3A, %dot_general3A_506 : vector<8x8xf32>
      %jit3A_510 = arith.constant 1.000000e+00 : f32
      %jit3A_511 = arith.constant 0.000000e+00 : f32
      %broadcast_in_dim3A_512 = vector.broadcast %jit3A_510 : f32 to vector<8x8xf32>
      %broadcast_in_dim3A_513 = vector.broadcast %jit3A_511 : f32 to vector<8x8xf32>
      %select_n3A_514 = arith.select %gt3A_509, %broadcast_in_dim3A_512, %broadcast_in_dim3A_513 : vector<8x8xi1>, vector<8x8xf32>
      %eq3A_515 = vector.broadcast %slice3A : vector<8x1xf32> to vector<8x8xf32>
      %eq3A_516 = arith.cmpf oeq, %eq3A_515, %dot_general3A_506 : vector<8x8xf32>
      %gt3A_517 = arith.constant 0 : i32
      %gt3A_518 = vector.broadcast %gt3A_517 : i32 to vector<8x8xi32>
      %gt3A_519 = arith.cmpi sgt, %iota3A_82, %gt3A_518 : vector<8x8xi32>
      %and3A_520 = arith.andi %eq3A_516, %gt3A_519 : vector<8x8xi1>
      %jit3A_521 = arith.constant 1.000000e+00 : f32
      %jit3A_522 = arith.constant 0.000000e+00 : f32
      %broadcast_in_dim3A_523 = vector.broadcast %jit3A_521 : f32 to vector<8x8xf32>
      %broadcast_in_dim3A_524 = vector.broadcast %jit3A_522 : f32 to vector<8x8xf32>
      %select_n3A_525 = arith.select %and3A_520, %broadcast_in_dim3A_523, %broadcast_in_dim3A_524 : vector<8x8xi1>, vector<8x8xf32>
      %add3A_526 = arith.addf %broadcast_in_dim3A_508, %select_n3A_514 : vector<8x8xf32>
      %add3A_527 = arith.addf %add3A_526, %select_n3A_525 : vector<8x8xf32>
      %slice3A_528 = vector.extract_strided_slice %dot_general3A_506 {offsets = [0, 1], sizes = [8, 1], strides = [1, 1]} : vector<8x8xf32> to vector<8x1xf32>
      %gt3A_529 = vector.broadcast %slice3A_528 : vector<8x1xf32> to vector<8x8xf32>
      %gt3A_530 = arith.cmpf ogt, %gt3A_529, %dot_general3A_506 : vector<8x8xf32>
      %jit3A_531 = arith.constant 1.000000e+00 : f32
      %jit3A_532 = arith.constant 0.000000e+00 : f32
      %broadcast_in_dim3A_533 = vector.broadcast %jit3A_531 : f32 to vector<8x8xf32>
      %broadcast_in_dim3A_534 = vector.broadcast %jit3A_532 : f32 to vector<8x8xf32>
      %select_n3A_535 = arith.select %gt3A_530, %broadcast_in_dim3A_533, %broadcast_in_dim3A_534 : vector<8x8xi1>, vector<8x8xf32>
      %eq3A_536 = vector.broadcast %slice3A_528 : vector<8x1xf32> to vector<8x8xf32>
      %eq3A_537 = arith.cmpf oeq, %eq3A_536, %dot_general3A_506 : vector<8x8xf32>
      %gt3A_538 = arith.constant 1 : i32
      %gt3A_539 = vector.broadcast %gt3A_538 : i32 to vector<8x8xi32>
      %gt3A_540 = arith.cmpi sgt, %iota3A_82, %gt3A_539 : vector<8x8xi32>
      %and3A_541 = arith.andi %eq3A_537, %gt3A_540 : vector<8x8xi1>
      %jit3A_542 = arith.constant 1.000000e+00 : f32
      %jit3A_543 = arith.constant 0.000000e+00 : f32
      %broadcast_in_dim3A_544 = vector.broadcast %jit3A_542 : f32 to vector<8x8xf32>
      %broadcast_in_dim3A_545 = vector.broadcast %jit3A_543 : f32 to vector<8x8xf32>
      %select_n3A_546 = arith.select %and3A_541, %broadcast_in_dim3A_544, %broadcast_in_dim3A_545 : vector<8x8xi1>, vector<8x8xf32>
      %add3A_547 = arith.addf %add3A_527, %select_n3A_535 : vector<8x8xf32>
      %add3A_548 = arith.addf %add3A_547, %select_n3A_546 : vector<8x8xf32>
      %slice3A_549 = vector.extract_strided_slice %dot_general3A_506 {offsets = [0, 2], sizes = [8, 1], strides = [1, 1]} : vector<8x8xf32> to vector<8x1xf32>
      %gt3A_550 = vector.broadcast %slice3A_549 : vector<8x1xf32> to vector<8x8xf32>
      %gt3A_551 = arith.cmpf ogt, %gt3A_550, %dot_general3A_506 : vector<8x8xf32>
      %jit3A_552 = arith.constant 1.000000e+00 : f32
      %jit3A_553 = arith.constant 0.000000e+00 : f32
      %broadcast_in_dim3A_554 = vector.broadcast %jit3A_552 : f32 to vector<8x8xf32>
      %broadcast_in_dim3A_555 = vector.broadcast %jit3A_553 : f32 to vector<8x8xf32>
      %select_n3A_556 = arith.select %gt3A_551, %broadcast_in_dim3A_554, %broadcast_in_dim3A_555 : vector<8x8xi1>, vector<8x8xf32>
      %eq3A_557 = vector.broadcast %slice3A_549 : vector<8x1xf32> to vector<8x8xf32>
      %eq3A_558 = arith.cmpf oeq, %eq3A_557, %dot_general3A_506 : vector<8x8xf32>
      %gt3A_559 = arith.constant 2 : i32
      %gt3A_560 = vector.broadcast %gt3A_559 : i32 to vector<8x8xi32>
      %gt3A_561 = arith.cmpi sgt, %iota3A_82, %gt3A_560 : vector<8x8xi32>
      %and3A_562 = arith.andi %eq3A_558, %gt3A_561 : vector<8x8xi1>
      %jit3A_563 = arith.constant 1.000000e+00 : f32
      %jit3A_564 = arith.constant 0.000000e+00 : f32
      %broadcast_in_dim3A_565 = vector.broadcast %jit3A_563 : f32 to vector<8x8xf32>
      %broadcast_in_dim3A_566 = vector.broadcast %jit3A_564 : f32 to vector<8x8xf32>
      %select_n3A_567 = arith.select %and3A_562, %broadcast_in_dim3A_565, %broadcast_in_dim3A_566 : vector<8x8xi1>, vector<8x8xf32>
      %add3A_568 = arith.addf %add3A_548, %select_n3A_556 : vector<8x8xf32>
      %add3A_569 = arith.addf %add3A_568, %select_n3A_567 : vector<8x8xf32>
      %slice3A_570 = vector.extract_strided_slice %dot_general3A_506 {offsets = [0, 3], sizes = [8, 1], strides = [1, 1]} : vector<8x8xf32> to vector<8x1xf32>
      %gt3A_571 = vector.broadcast %slice3A_570 : vector<8x1xf32> to vector<8x8xf32>
      %gt3A_572 = arith.cmpf ogt, %gt3A_571, %dot_general3A_506 : vector<8x8xf32>
      %jit3A_573 = arith.constant 1.000000e+00 : f32
      %jit3A_574 = arith.constant 0.000000e+00 : f32
      %broadcast_in_dim3A_575 = vector.broadcast %jit3A_573 : f32 to vector<8x8xf32>
      %broadcast_in_dim3A_576 = vector.broadcast %jit3A_574 : f32 to vector<8x8xf32>
      %select_n3A_577 = arith.select %gt3A_572, %broadcast_in_dim3A_575, %broadcast_in_dim3A_576 : vector<8x8xi1>, vector<8x8xf32>
      %eq3A_578 = vector.broadcast %slice3A_570 : vector<8x1xf32> to vector<8x8xf32>
      %eq3A_579 = arith.cmpf oeq, %eq3A_578, %dot_general3A_506 : vector<8x8xf32>
      %gt3A_580 = arith.constant 3 : i32
      %gt3A_581 = vector.broadcast %gt3A_580 : i32 to vector<8x8xi32>
      %gt3A_582 = arith.cmpi sgt, %iota3A_82, %gt3A_581 : vector<8x8xi32>
      %and3A_583 = arith.andi %eq3A_579, %gt3A_582 : vector<8x8xi1>
      %jit3A_584 = arith.constant 1.000000e+00 : f32
      %jit3A_585 = arith.constant 0.000000e+00 : f32
      %broadcast_in_dim3A_586 = vector.broadcast %jit3A_584 : f32 to vector<8x8xf32>
      %broadcast_in_dim3A_587 = vector.broadcast %jit3A_585 : f32 to vector<8x8xf32>
      %select_n3A_588 = arith.select %and3A_583, %broadcast_in_dim3A_586, %broadcast_in_dim3A_587 : vector<8x8xi1>, vector<8x8xf32>
      %add3A_589 = arith.addf %add3A_569, %select_n3A_577 : vector<8x8xf32>
      %add3A_590 = arith.addf %add3A_589, %select_n3A_588 : vector<8x8xf32>
      %slice3A_591 = vector.extract_strided_slice %dot_general3A_506 {offsets = [0, 4], sizes = [8, 1], strides = [1, 1]} : vector<8x8xf32> to vector<8x1xf32>
      %gt3A_592 = vector.broadcast %slice3A_591 : vector<8x1xf32> to vector<8x8xf32>
      %gt3A_593 = arith.cmpf ogt, %gt3A_592, %dot_general3A_506 : vector<8x8xf32>
      %jit3A_594 = arith.constant 1.000000e+00 : f32
      %jit3A_595 = arith.constant 0.000000e+00 : f32
      %broadcast_in_dim3A_596 = vector.broadcast %jit3A_594 : f32 to vector<8x8xf32>
      %broadcast_in_dim3A_597 = vector.broadcast %jit3A_595 : f32 to vector<8x8xf32>
      %select_n3A_598 = arith.select %gt3A_593, %broadcast_in_dim3A_596, %broadcast_in_dim3A_597 : vector<8x8xi1>, vector<8x8xf32>
      %eq3A_599 = vector.broadcast %slice3A_591 : vector<8x1xf32> to vector<8x8xf32>
      %eq3A_600 = arith.cmpf oeq, %eq3A_599, %dot_general3A_506 : vector<8x8xf32>
      %gt3A_601 = arith.constant 4 : i32
      %gt3A_602 = vector.broadcast %gt3A_601 : i32 to vector<8x8xi32>
      %gt3A_603 = arith.cmpi sgt, %iota3A_82, %gt3A_602 : vector<8x8xi32>
      %and3A_604 = arith.andi %eq3A_600, %gt3A_603 : vector<8x8xi1>
      %jit3A_605 = arith.constant 1.000000e+00 : f32
      %jit3A_606 = arith.constant 0.000000e+00 : f32
      %broadcast_in_dim3A_607 = vector.broadcast %jit3A_605 : f32 to vector<8x8xf32>
      %broadcast_in_dim3A_608 = vector.broadcast %jit3A_606 : f32 to vector<8x8xf32>
      %select_n3A_609 = arith.select %and3A_604, %broadcast_in_dim3A_607, %broadcast_in_dim3A_608 : vector<8x8xi1>, vector<8x8xf32>
      %add3A_610 = arith.addf %add3A_590, %select_n3A_598 : vector<8x8xf32>
      %add3A_611 = arith.addf %add3A_610, %select_n3A_609 : vector<8x8xf32>
      %slice3A_612 = vector.extract_strided_slice %dot_general3A_506 {offsets = [0, 5], sizes = [8, 1], strides = [1, 1]} : vector<8x8xf32> to vector<8x1xf32>
      %gt3A_613 = vector.broadcast %slice3A_612 : vector<8x1xf32> to vector<8x8xf32>
      %gt3A_614 = arith.cmpf ogt, %gt3A_613, %dot_general3A_506 : vector<8x8xf32>
      %jit3A_615 = arith.constant 1.000000e+00 : f32
      %jit3A_616 = arith.constant 0.000000e+00 : f32
      %broadcast_in_dim3A_617 = vector.broadcast %jit3A_615 : f32 to vector<8x8xf32>
      %broadcast_in_dim3A_618 = vector.broadcast %jit3A_616 : f32 to vector<8x8xf32>
      %select_n3A_619 = arith.select %gt3A_614, %broadcast_in_dim3A_617, %broadcast_in_dim3A_618 : vector<8x8xi1>, vector<8x8xf32>
      %eq3A_620 = vector.broadcast %slice3A_612 : vector<8x1xf32> to vector<8x8xf32>
      %eq3A_621 = arith.cmpf oeq, %eq3A_620, %dot_general3A_506 : vector<8x8xf32>
      %gt3A_622 = arith.constant 5 : i32
      %gt3A_623 = vector.broadcast %gt3A_622 : i32 to vector<8x8xi32>
      %gt3A_624 = arith.cmpi sgt, %iota3A_82, %gt3A_623 : vector<8x8xi32>
      %and3A_625 = arith.andi %eq3A_621, %gt3A_624 : vector<8x8xi1>
      %jit3A_626 = arith.constant 1.000000e+00 : f32
      %jit3A_627 = arith.constant 0.000000e+00 : f32
      %broadcast_in_dim3A_628 = vector.broadcast %jit3A_626 : f32 to vector<8x8xf32>
      %broadcast_in_dim3A_629 = vector.broadcast %jit3A_627 : f32 to vector<8x8xf32>
      %select_n3A_630 = arith.select %and3A_625, %broadcast_in_dim3A_628, %broadcast_in_dim3A_629 : vector<8x8xi1>, vector<8x8xf32>
      %add3A_631 = arith.addf %add3A_611, %select_n3A_619 : vector<8x8xf32>
      %add3A_632 = arith.addf %add3A_631, %select_n3A_630 : vector<8x8xf32>
      %slice3A_633 = vector.extract_strided_slice %dot_general3A_506 {offsets = [0, 6], sizes = [8, 1], strides = [1, 1]} : vector<8x8xf32> to vector<8x1xf32>
      %gt3A_634 = vector.broadcast %slice3A_633 : vector<8x1xf32> to vector<8x8xf32>
      %gt3A_635 = arith.cmpf ogt, %gt3A_634, %dot_general3A_506 : vector<8x8xf32>
      %jit3A_636 = arith.constant 1.000000e+00 : f32
      %jit3A_637 = arith.constant 0.000000e+00 : f32
      %broadcast_in_dim3A_638 = vector.broadcast %jit3A_636 : f32 to vector<8x8xf32>
      %broadcast_in_dim3A_639 = vector.broadcast %jit3A_637 : f32 to vector<8x8xf32>
      %select_n3A_640 = arith.select %gt3A_635, %broadcast_in_dim3A_638, %broadcast_in_dim3A_639 : vector<8x8xi1>, vector<8x8xf32>
      %eq3A_641 = vector.broadcast %slice3A_633 : vector<8x1xf32> to vector<8x8xf32>
      %eq3A_642 = arith.cmpf oeq, %eq3A_641, %dot_general3A_506 : vector<8x8xf32>
      %gt3A_643 = arith.constant 6 : i32
      %gt3A_644 = vector.broadcast %gt3A_643 : i32 to vector<8x8xi32>
      %gt3A_645 = arith.cmpi sgt, %iota3A_82, %gt3A_644 : vector<8x8xi32>
      %and3A_646 = arith.andi %eq3A_642, %gt3A_645 : vector<8x8xi1>
      %jit3A_647 = arith.constant 1.000000e+00 : f32
      %jit3A_648 = arith.constant 0.000000e+00 : f32
      %broadcast_in_dim3A_649 = vector.broadcast %jit3A_647 : f32 to vector<8x8xf32>
      %broadcast_in_dim3A_650 = vector.broadcast %jit3A_648 : f32 to vector<8x8xf32>
      %select_n3A_651 = arith.select %and3A_646, %broadcast_in_dim3A_649, %broadcast_in_dim3A_650 : vector<8x8xi1>, vector<8x8xf32>
      %add3A_652 = arith.addf %add3A_632, %select_n3A_640 : vector<8x8xf32>
      %add3A_653 = arith.addf %add3A_652, %select_n3A_651 : vector<8x8xf32>
      %slice3A_654 = vector.extract_strided_slice %dot_general3A_506 {offsets = [0, 7], sizes = [8, 1], strides = [1, 1]} : vector<8x8xf32> to vector<8x1xf32>
      %gt3A_655 = vector.broadcast %slice3A_654 : vector<8x1xf32> to vector<8x8xf32>
      %gt3A_656 = arith.cmpf ogt, %gt3A_655, %dot_general3A_506 : vector<8x8xf32>
      %jit3A_657 = arith.constant 1.000000e+00 : f32
      %jit3A_658 = arith.constant 0.000000e+00 : f32
      %broadcast_in_dim3A_659 = vector.broadcast %jit3A_657 : f32 to vector<8x8xf32>
      %broadcast_in_dim3A_660 = vector.broadcast %jit3A_658 : f32 to vector<8x8xf32>
      %select_n3A_661 = arith.select %gt3A_656, %broadcast_in_dim3A_659, %broadcast_in_dim3A_660 : vector<8x8xi1>, vector<8x8xf32>
      %eq3A_662 = vector.broadcast %slice3A_654 : vector<8x1xf32> to vector<8x8xf32>
      %eq3A_663 = arith.cmpf oeq, %eq3A_662, %dot_general3A_506 : vector<8x8xf32>
      %gt3A_664 = arith.constant 7 : i32
      %gt3A_665 = vector.broadcast %gt3A_664 : i32 to vector<8x8xi32>
      %gt3A_666 = arith.cmpi sgt, %iota3A_82, %gt3A_665 : vector<8x8xi32>
      %and3A_667 = arith.andi %eq3A_663, %gt3A_666 : vector<8x8xi1>
      %jit3A_668 = arith.constant 1.000000e+00 : f32
      %jit3A_669 = arith.constant 0.000000e+00 : f32
      %broadcast_in_dim3A_670 = vector.broadcast %jit3A_668 : f32 to vector<8x8xf32>
      %broadcast_in_dim3A_671 = vector.broadcast %jit3A_669 : f32 to vector<8x8xf32>
      %select_n3A_672 = arith.select %and3A_667, %broadcast_in_dim3A_670, %broadcast_in_dim3A_671 : vector<8x8xi1>, vector<8x8xf32>
      %add3A_673 = arith.addf %add3A_653, %select_n3A_661 : vector<8x8xf32>
      %add3A_674 = arith.addf %add3A_673, %select_n3A_672 : vector<8x8xf32>
      %lt3A = arith.constant 4.000000e+00 : f32
      %lt3A_675 = vector.broadcast %lt3A : f32 to vector<8x8xf32>
      %lt3A_676 = arith.cmpf olt, %add3A_674, %lt3A_675 : vector<8x8xf32>
      %jit3A_677 = arith.constant 1.000000e+00 : f32
      %jit3A_678 = arith.constant 0.000000e+00 : f32
      %broadcast_in_dim3A_679 = vector.broadcast %jit3A_677 : f32 to vector<8x8xf32>
      %broadcast_in_dim3A_680 = vector.broadcast %jit3A_678 : f32 to vector<8x8xf32>
      %select_n3A_681 = arith.select %lt3A_676, %broadcast_in_dim3A_679, %broadcast_in_dim3A_680 : vector<8x8xi1>, vector<8x8xf32>
      %dot_general3A_682 = arith.constant dense<0.000000e+00> : vector<16x8xf32>
      %dot_general3A_683 = tpu.matmul %select_n3A_81, %select_n3A_681, %dot_general3A_682 {dimension_numbers = #tpu.dot_dimension_numbers<[1], [0], [0], [1], [0, 0, 1, 1], [], []>, transpose_lhs_hint = false} : vector<16x8xf32>, vector<8x8xf32>, vector<16x8xf32> -> vector<16x8xf32>
      %dot_general3A_684 = arith.constant dense<0.000000e+00> : vector<16x16xf32>
      %dot_general3A_685 = tpu.matmul %dot_general3A_683, %select_n3A_81, %dot_general3A_684 {dimension_numbers = #tpu.dot_dimension_numbers<[1], [1], [0], [0], [0, 0, 1, 0], [], []>, transpose_lhs_hint = false} : vector<16x8xf32>, vector<16x8xf32>, vector<16x16xf32> -> vector<16x16xf32>
      %sub3A_686 = arith.constant 1.000000e+00 : f32
      %sub3A_687 = vector.broadcast %sub3A_686 : f32 to vector<16x16xf32>
      %sub3A_688 = arith.subf %dot_general3A_685, %sub3A_687 : vector<16x16xf32>
      %mul3A_689 = arith.constant 1.000000e+30 : f32
      %mul3A_690 = vector.broadcast %mul3A_689 : f32 to vector<16x16xf32>
      %mul3A_691 = arith.mulf %sub3A_688, %mul3A_690 : vector<16x16xf32>
      %slice3A_692 = vector.extract_strided_slice %get3A_494 {offsets = [0, 0], sizes = [16, 16], strides = [1, 1]} : vector<16x64xf32> to vector<16x16xf32>
      %slice3A_693 = vector.extract_strided_slice %get3A_497 {offsets = [0, 0], sizes = [16, 16], strides = [1, 1]} : vector<16x64xf32> to vector<16x16xf32>
      %slice3A_694 = vector.extract_strided_slice %get3A_500 {offsets = [0, 0], sizes = [16, 16], strides = [1, 1]} : vector<16x64xf32> to vector<16x16xf32>
      %dot_general3A_695 = arith.constant dense<0.000000e+00> : vector<16x16xf32>
      %dot_general3A_696 = tpu.matmul %slice3A_692, %slice3A_693, %dot_general3A_695 {dimension_numbers = #tpu.dot_dimension_numbers<[1], [1], [0], [0], [0, 0, 1, 0], [], []>, transpose_lhs_hint = false} : vector<16x16xf32>, vector<16x16xf32>, vector<16x16xf32> -> vector<16x16xf32>
      %div3A_697 = arith.constant 4.000000e+00 : f32
      %div3A_698 = vector.broadcast %div3A_697 : f32 to vector<16x16xf32>
      %div3A_699 = arith.divf %dot_general3A_696, %div3A_698 : vector<16x16xf32>
      %add3A_700 = arith.addf %div3A_699, %mul3A_691 : vector<16x16xf32>
      %reduce_max3A = arith.constant dense<0xFF800000> : vector<16xf32>
      %reduce_max3A_701 = vector.multi_reduction <maximumf>, %add3A_700, %reduce_max3A [1] : vector<16x16xf32> to vector<16xf32>
      %broadcast_in_dim3A_702 = vector.shape_cast %reduce_max3A_701 : vector<16xf32> to vector<16x1xf32>
      %sub3A_703 = vector.broadcast %broadcast_in_dim3A_702 : vector<16x1xf32> to vector<16x16xf32>
      %sub3A_704 = arith.subf %add3A_700, %sub3A_703 : vector<16x16xf32>
      %exp3A = math.exp %sub3A_704 : vector<16x16xf32>
      %reduce_sum3A_705 = arith.constant dense<0.000000e+00> : vector<16xf32>
      %reduce_sum3A_706 = vector.multi_reduction <add>, %exp3A, %reduce_sum3A_705 [1] : vector<16x16xf32> to vector<16xf32>
      %broadcast_in_dim3A_707 = vector.shape_cast %reduce_sum3A_706 : vector<16xf32> to vector<16x1xf32>
      %div3A_708 = vector.broadcast %broadcast_in_dim3A_707 : vector<16x1xf32> to vector<16x16xf32>
      %div3A_709 = arith.divf %exp3A, %div3A_708 : vector<16x16xf32>
      %dot_general3A_710 = arith.constant dense<0.000000e+00> : vector<16x16xf32>
      %dot_general3A_711 = tpu.matmul %div3A_709, %slice3A_694, %dot_general3A_710 {dimension_numbers = #tpu.dot_dimension_numbers<[1], [0], [0], [1], [0, 0, 1, 1], [], []>, transpose_lhs_hint = false} : vector<16x16xf32>, vector<16x16xf32>, vector<16x16xf32> -> vector<16x16xf32>
      %swap3A_712 = arith.index_cast %mul3A_491 : i32 to index
      %swap3A_713 = arith.constant 0 : index
      %swap3A_714 = vector.load %arg33[%swap3A_712, %swap3A_713] : memref<640x64xf32, #tpu.memory_space<vmem>>, vector<16x16xf32>
      tpu.vector_store %arg33[%swap3A_712, %swap3A_713], %dot_general3A_711 {strides = array<i32>} : memref<640x64xf32, #tpu.memory_space<vmem>>, vector<16x16xf32>,
      %slice3A_715 = vector.extract_strided_slice %get3A_494 {offsets = [0, 16], sizes = [16, 16], strides = [1, 1]} : vector<16x64xf32> to vector<16x16xf32>
      %slice3A_716 = vector.extract_strided_slice %get3A_497 {offsets = [0, 16], sizes = [16, 16], strides = [1, 1]} : vector<16x64xf32> to vector<16x16xf32>
      %slice3A_717 = vector.extract_strided_slice %get3A_500 {offsets = [0, 16], sizes = [16, 16], strides = [1, 1]} : vector<16x64xf32> to vector<16x16xf32>
      %dot_general3A_718 = arith.constant dense<0.000000e+00> : vector<16x16xf32>
      %dot_general3A_719 = tpu.matmul %slice3A_715, %slice3A_716, %dot_general3A_718 {dimension_numbers = #tpu.dot_dimension_numbers<[1], [1], [0], [0], [0, 0, 1, 0], [], []>, transpose_lhs_hint = false} : vector<16x16xf32>, vector<16x16xf32>, vector<16x16xf32> -> vector<16x16xf32>
      %div3A_720 = arith.constant 4.000000e+00 : f32
      %div3A_721 = vector.broadcast %div3A_720 : f32 to vector<16x16xf32>
      %div3A_722 = arith.divf %dot_general3A_719, %div3A_721 : vector<16x16xf32>
      %add3A_723 = arith.addf %div3A_722, %mul3A_691 : vector<16x16xf32>
      %reduce_max3A_724 = arith.constant dense<0xFF800000> : vector<16xf32>
      %reduce_max3A_725 = vector.multi_reduction <maximumf>, %add3A_723, %reduce_max3A_724 [1] : vector<16x16xf32> to vector<16xf32>
      %broadcast_in_dim3A_726 = vector.shape_cast %reduce_max3A_725 : vector<16xf32> to vector<16x1xf32>
      %sub3A_727 = vector.broadcast %broadcast_in_dim3A_726 : vector<16x1xf32> to vector<16x16xf32>
      %sub3A_728 = arith.subf %add3A_723, %sub3A_727 : vector<16x16xf32>
      %exp3A_729 = math.exp %sub3A_728 : vector<16x16xf32>
      %reduce_sum3A_730 = arith.constant dense<0.000000e+00> : vector<16xf32>
      %reduce_sum3A_731 = vector.multi_reduction <add>, %exp3A_729, %reduce_sum3A_730 [1] : vector<16x16xf32> to vector<16xf32>
      %broadcast_in_dim3A_732 = vector.shape_cast %reduce_sum3A_731 : vector<16xf32> to vector<16x1xf32>
      %div3A_733 = vector.broadcast %broadcast_in_dim3A_732 : vector<16x1xf32> to vector<16x16xf32>
      %div3A_734 = arith.divf %exp3A_729, %div3A_733 : vector<16x16xf32>
      %dot_general3A_735 = arith.constant dense<0.000000e+00> : vector<16x16xf32>
      %dot_general3A_736 = tpu.matmul %div3A_734, %slice3A_717, %dot_general3A_735 {dimension_numbers = #tpu.dot_dimension_numbers<[1], [0], [0], [1], [0, 0, 1, 1], [], []>, transpose_lhs_hint = false} : vector<16x16xf32>, vector<16x16xf32>, vector<16x16xf32> -> vector<16x16xf32>
      %swap3A_737 = arith.index_cast %mul3A_491 : i32 to index
      %swap3A_738 = arith.constant 16 : index
      %swap3A_739 = vector.load %arg33[%swap3A_737, %swap3A_738] : memref<640x64xf32, #tpu.memory_space<vmem>>, vector<16x16xf32>
      tpu.vector_store %arg33[%swap3A_737, %swap3A_738], %dot_general3A_736 {strides = array<i32>} : memref<640x64xf32, #tpu.memory_space<vmem>>, vector<16x16xf32>,
      %slice3A_740 = vector.extract_strided_slice %get3A_494 {offsets = [0, 32], sizes = [16, 16], strides = [1, 1]} : vector<16x64xf32> to vector<16x16xf32>
      %slice3A_741 = vector.extract_strided_slice %get3A_497 {offsets = [0, 32], sizes = [16, 16], strides = [1, 1]} : vector<16x64xf32> to vector<16x16xf32>
      %slice3A_742 = vector.extract_strided_slice %get3A_500 {offsets = [0, 32], sizes = [16, 16], strides = [1, 1]} : vector<16x64xf32> to vector<16x16xf32>
      %dot_general3A_743 = arith.constant dense<0.000000e+00> : vector<16x16xf32>
      %dot_general3A_744 = tpu.matmul %slice3A_740, %slice3A_741, %dot_general3A_743 {dimension_numbers = #tpu.dot_dimension_numbers<[1], [1], [0], [0], [0, 0, 1, 0], [], []>, transpose_lhs_hint = false} : vector<16x16xf32>, vector<16x16xf32>, vector<16x16xf32> -> vector<16x16xf32>
      %div3A_745 = arith.constant 4.000000e+00 : f32
      %div3A_746 = vector.broadcast %div3A_745 : f32 to vector<16x16xf32>
      %div3A_747 = arith.divf %dot_general3A_744, %div3A_746 : vector<16x16xf32>
      %add3A_748 = arith.addf %div3A_747, %mul3A_691 : vector<16x16xf32>
      %reduce_max3A_749 = arith.constant dense<0xFF800000> : vector<16xf32>
      %reduce_max3A_750 = vector.multi_reduction <maximumf>, %add3A_748, %reduce_max3A_749 [1] : vector<16x16xf32> to vector<16xf32>
      %broadcast_in_dim3A_751 = vector.shape_cast %reduce_max3A_750 : vector<16xf32> to vector<16x1xf32>
      %sub3A_752 = vector.broadcast %broadcast_in_dim3A_751 : vector<16x1xf32> to vector<16x16xf32>
      %sub3A_753 = arith.subf %add3A_748, %sub3A_752 : vector<16x16xf32>
      %exp3A_754 = math.exp %sub3A_753 : vector<16x16xf32>
      %reduce_sum3A_755 = arith.constant dense<0.000000e+00> : vector<16xf32>
      %reduce_sum3A_756 = vector.multi_reduction <add>, %exp3A_754, %reduce_sum3A_755 [1] : vector<16x16xf32> to vector<16xf32>
      %broadcast_in_dim3A_757 = vector.shape_cast %reduce_sum3A_756 : vector<16xf32> to vector<16x1xf32>
      %div3A_758 = vector.broadcast %broadcast_in_dim3A_757 : vector<16x1xf32> to vector<16x16xf32>
      %div3A_759 = arith.divf %exp3A_754, %div3A_758 : vector<16x16xf32>
      %dot_general3A_760 = arith.constant dense<0.000000e+00> : vector<16x16xf32>
      %dot_general3A_761 = tpu.matmul %div3A_759, %slice3A_742, %dot_general3A_760 {dimension_numbers = #tpu.dot_dimension_numbers<[1], [0], [0], [1], [0, 0, 1, 1], [], []>, transpose_lhs_hint = false} : vector<16x16xf32>, vector<16x16xf32>, vector<16x16xf32> -> vector<16x16xf32>
      %swap3A_762 = arith.index_cast %mul3A_491 : i32 to index
      %swap3A_763 = arith.constant 32 : index
      %swap3A_764 = vector.load %arg33[%swap3A_762, %swap3A_763] : memref<640x64xf32, #tpu.memory_space<vmem>>, vector<16x16xf32>
      tpu.vector_store %arg33[%swap3A_762, %swap3A_763], %dot_general3A_761 {strides = array<i32>} : memref<640x64xf32, #tpu.memory_space<vmem>>, vector<16x16xf32>,
      %slice3A_765 = vector.extract_strided_slice %get3A_494 {offsets = [0, 48], sizes = [16, 16], strides = [1, 1]} : vector<16x64xf32> to vector<16x16xf32>
      %slice3A_766 = vector.extract_strided_slice %get3A_497 {offsets = [0, 48], sizes = [16, 16], strides = [1, 1]} : vector<16x64xf32> to vector<16x16xf32>
      %slice3A_767 = vector.extract_strided_slice %get3A_500 {offsets = [0, 48], sizes = [16, 16], strides = [1, 1]} : vector<16x64xf32> to vector<16x16xf32>
      %dot_general3A_768 = arith.constant dense<0.000000e+00> : vector<16x16xf32>
      %dot_general3A_769 = tpu.matmul %slice3A_765, %slice3A_766, %dot_general3A_768 {dimension_numbers = #tpu.dot_dimension_numbers<[1], [1], [0], [0], [0, 0, 1, 0], [], []>, transpose_lhs_hint = false} : vector<16x16xf32>, vector<16x16xf32>, vector<16x16xf32> -> vector<16x16xf32>
      %div3A_770 = arith.constant 4.000000e+00 : f32
      %div3A_771 = vector.broadcast %div3A_770 : f32 to vector<16x16xf32>
      %div3A_772 = arith.divf %dot_general3A_769, %div3A_771 : vector<16x16xf32>
      %add3A_773 = arith.addf %div3A_772, %mul3A_691 : vector<16x16xf32>
      %reduce_max3A_774 = arith.constant dense<0xFF800000> : vector<16xf32>
      %reduce_max3A_775 = vector.multi_reduction <maximumf>, %add3A_773, %reduce_max3A_774 [1] : vector<16x16xf32> to vector<16xf32>
      %broadcast_in_dim3A_776 = vector.shape_cast %reduce_max3A_775 : vector<16xf32> to vector<16x1xf32>
      %sub3A_777 = vector.broadcast %broadcast_in_dim3A_776 : vector<16x1xf32> to vector<16x16xf32>
      %sub3A_778 = arith.subf %add3A_773, %sub3A_777 : vector<16x16xf32>
      %exp3A_779 = math.exp %sub3A_778 : vector<16x16xf32>
      %reduce_sum3A_780 = arith.constant dense<0.000000e+00> : vector<16xf32>
      %reduce_sum3A_781 = vector.multi_reduction <add>, %exp3A_779, %reduce_sum3A_780 [1] : vector<16x16xf32> to vector<16xf32>
      %broadcast_in_dim3A_782 = vector.shape_cast %reduce_sum3A_781 : vector<16xf32> to vector<16x1xf32>
      %div3A_783 = vector.broadcast %broadcast_in_dim3A_782 : vector<16x1xf32> to vector<16x16xf32>
      %div3A_784 = arith.divf %exp3A_779, %div3A_783 : vector<16x16xf32>
      %dot_general3A_785 = arith.constant dense<0.000000e+00> : vector<16x16xf32>
      %dot_general3A_786 = tpu.matmul %div3A_784, %slice3A_767, %dot_general3A_785 {dimension_numbers = #tpu.dot_dimension_numbers<[1], [0], [0], [1], [0, 0, 1, 1], [], []>, transpose_lhs_hint = false} : vector<16x16xf32>, vector<16x16xf32>, vector<16x16xf32> -> vector<16x16xf32>
      %swap3A_787 = arith.index_cast %mul3A_491 : i32 to index
      %swap3A_788 = arith.constant 48 : index
      %swap3A_789 = vector.load %arg33[%swap3A_787, %swap3A_788] : memref<640x64xf32, #tpu.memory_space<vmem>>, vector<16x16xf32>
      tpu.vector_store %arg33[%swap3A_787, %swap3A_788], %dot_general3A_786 {strides = array<i32>} : memref<640x64xf32, #tpu.memory_space<vmem>>, vector<16x16xf32>,
    }
    %scan3A_120 = arith.constant 40 : i32
    %get3A_121 = arith.constant 0 : index
    %get3A_122 = arith.constant 0 : index
    %get3A_123 = vector.load %arg33[%get3A_121, %get3A_122] : memref<640x64xf32, #tpu.memory_space<vmem>>, vector<640x64xf32>
    %get3A_124 = arith.constant 0 : index
    %get3A_125 = arith.constant 0 : index
    %get3A_126 = vector.load %arg4[%get3A_124, %get3A_125] : memref<64x64xf32, #tpu.memory_space<vmem>>, vector<64x64xf32>
    %dot_general3A_127 = arith.constant dense<0.000000e+00> : vector<640x64xf32>
    %dot_general3A_128 = tpu.matmul %get3A_123, %get3A_126, %dot_general3A_127 {dimension_numbers = #tpu.dot_dimension_numbers<[1], [0], [0], [1], [0, 0, 1, 1], [], []>, transpose_lhs_hint = false} : vector<640x64xf32>, vector<64x64xf32>, vector<640x64xf32> -> vector<640x64xf32>
    %add3A_129 = arith.addf %select_n3A, %dot_general3A_128 : vector<640x64xf32>
    %get3A_130 = arith.constant 0 : index
    %get3A_131 = arith.constant 0 : index
    %get3A_132 = vector.load %arg5[%get3A_130, %get3A_131] : memref<1x64xf32, #tpu.memory_space<vmem>>, vector<1x64xf32>
    %get3A_133 = arith.constant 0 : index
    %get3A_134 = arith.constant 0 : index
    %get3A_135 = vector.load %arg6[%get3A_133, %get3A_134] : memref<1x64xf32, #tpu.memory_space<vmem>>, vector<1x64xf32>
    %reduce_sum3A_136 = arith.constant dense<0.000000e+00> : vector<64xf32>
    %reduce_sum3A_137 = vector.multi_reduction <add>, %add3A_129, %reduce_sum3A_136 [0] : vector<640x64xf32> to vector<64xf32>
    %broadcast_in_dim3A_138 = vector.shape_cast %reduce_sum3A_137 : vector<64xf32> to vector<1x64xf32>
    %div3A_139 = arith.constant 6.400000e+02 : f32
    %div3A_140 = vector.broadcast %div3A_139 : f32 to vector<1x64xf32>
    %div3A_141 = arith.divf %broadcast_in_dim3A_138, %div3A_140 : vector<1x64xf32>
    %sub3A_142 = vector.broadcast %div3A_141 : vector<1x64xf32> to vector<640x64xf32>
    %sub3A_143 = arith.subf %add3A_129, %sub3A_142 : vector<640x64xf32>
    %square3A_144 = arith.mulf %sub3A_143, %sub3A_143 : vector<640x64xf32>
    %reduce_sum3A_145 = arith.constant dense<0.000000e+00> : vector<64xf32>
    %reduce_sum3A_146 = vector.multi_reduction <add>, %square3A_144, %reduce_sum3A_145 [0] : vector<640x64xf32> to vector<64xf32>
    %broadcast_in_dim3A_147 = vector.shape_cast %reduce_sum3A_146 : vector<64xf32> to vector<1x64xf32>
    %div3A_148 = arith.constant 6.400000e+02 : f32
    %div3A_149 = vector.broadcast %div3A_148 : f32 to vector<1x64xf32>
    %div3A_150 = arith.divf %broadcast_in_dim3A_147, %div3A_149 : vector<1x64xf32>
    %sub3A_151 = vector.broadcast %div3A_141 : vector<1x64xf32> to vector<640x64xf32>
    %sub3A_152 = arith.subf %add3A_129, %sub3A_151 : vector<640x64xf32>
    %add3A_153 = arith.constant 9.99999974E-6 : f32
    %add3A_154 = vector.broadcast %add3A_153 : f32 to vector<1x64xf32>
    %add3A_155 = arith.addf %div3A_150, %add3A_154 : vector<1x64xf32>
    %sqrt3A_156 = math.sqrt %add3A_155 : vector<1x64xf32>
    %div3A_157 = vector.broadcast %sqrt3A_156 : vector<1x64xf32> to vector<640x64xf32>
    %div3A_158 = arith.divf %sub3A_152, %div3A_157 : vector<640x64xf32>
    %mul3A_159 = vector.broadcast %get3A_132 : vector<1x64xf32> to vector<640x64xf32>
    %mul3A_160 = arith.mulf %div3A_158, %mul3A_159 : vector<640x64xf32>
    %add3A_161 = vector.broadcast %get3A_135 : vector<1x64xf32> to vector<640x64xf32>
    %add3A_162 = arith.addf %mul3A_160, %add3A_161 : vector<640x64xf32>
    %get3A_163 = arith.constant 0 : index
    %get3A_164 = arith.constant 0 : index
    %get3A_165 = vector.load %arg7[%get3A_163, %get3A_164] : memref<64x256xf32, #tpu.memory_space<vmem>>, vector<64x256xf32>
    %dot_general3A_166 = arith.constant dense<0.000000e+00> : vector<640x256xf32>
    %dot_general3A_167 = tpu.matmul %add3A_162, %get3A_165, %dot_general3A_166 {dimension_numbers = #tpu.dot_dimension_numbers<[1], [0], [0], [1], [0, 0, 1, 1], [], []>, transpose_lhs_hint = false} : vector<640x64xf32>, vector<64x256xf32>, vector<640x256xf32> -> vector<640x256xf32>
    %get3A_168 = arith.constant 0 : index
    %get3A_169 = arith.constant 0 : index
    %get3A_170 = vector.load %arg8[%get3A_168, %get3A_169] : memref<1x256xf32, #tpu.memory_space<vmem>>, vector<1x256xf32>
    %add3A_171 = vector.broadcast %get3A_170 : vector<1x256xf32> to vector<640x256xf32>
    %add3A_172 = arith.addf %dot_general3A_167, %add3A_171 : vector<640x256xf32>
    %div3A_173 = arith.constant 2.000000e+00 : f32
    %div3A_174 = vector.broadcast %div3A_173 : f32 to vector<640x256xf32>
    %div3A_175 = arith.divf %add3A_172, %div3A_174 : vector<640x256xf32>
    %sub3A_176 = arith.constant 1.000000e+00 : f32
    %sub3A_177 = vector.broadcast %sub3A_176 : f32 to vector<640x256xf32>
    %sub3A_178 = arith.subf %div3A_175, %sub3A_177 : vector<640x256xf32>
    %ge3A_179 = arith.constant 0.000000e+00 : f32
    %ge3A_180 = vector.broadcast %ge3A_179 : f32 to vector<640x256xf32>
    %ge3A_181 = arith.cmpf oge, %sub3A_178, %ge3A_180 : vector<640x256xf32>
    %jit3A_182 = arith.constant 1.000000e+00 : f32
    %jit3A_183 = arith.constant 0.000000e+00 : f32
    %broadcast_in_dim3A_184 = vector.broadcast %jit3A_182 : f32 to vector<640x256xf32>
    %broadcast_in_dim3A_185 = vector.broadcast %jit3A_183 : f32 to vector<640x256xf32>
    %select_n3A_186 = arith.select %ge3A_181, %broadcast_in_dim3A_184, %broadcast_in_dim3A_185 : vector<640x256xi1>, vector<640x256xf32>
    %get3A_187 = arith.constant 0 : index
    %get3A_188 = arith.constant 0 : index
    %get3A_189 = vector.load %arg9[%get3A_187, %get3A_188] : memref<256x64xf32, #tpu.memory_space<vmem>>, vector<256x64xf32>
    %dot_general3A_190 = arith.constant dense<0.000000e+00> : vector<640x64xf32>
    %dot_general3A_191 = tpu.matmul %select_n3A_186, %get3A_189, %dot_general3A_190 {dimension_numbers = #tpu.dot_dimension_numbers<[1], [0], [0], [1], [0, 0, 1, 1], [], []>, transpose_lhs_hint = false} : vector<640x256xf32>, vector<256x64xf32>, vector<640x64xf32> -> vector<640x64xf32>
    %get3A_192 = arith.constant 0 : index
    %get3A_193 = arith.constant 0 : index
    %get3A_194 = vector.load %arg10[%get3A_192, %get3A_193] : memref<1x64xf32, #tpu.memory_space<vmem>>, vector<1x64xf32>
    %add3A_195 = vector.broadcast %get3A_194 : vector<1x64xf32> to vector<640x64xf32>
    %add3A_196 = arith.addf %dot_general3A_191, %add3A_195 : vector<640x64xf32>
    %div3A_197 = arith.constant 2.000000e+00 : f32
    %div3A_198 = vector.broadcast %div3A_197 : f32 to vector<640x64xf32>
    %div3A_199 = arith.divf %add3A_196, %div3A_198 : vector<640x64xf32>
    %sub3A_200 = arith.constant 1.000000e+00 : f32
    %sub3A_201 = vector.broadcast %sub3A_200 : f32 to vector<640x64xf32>
    %sub3A_202 = arith.subf %div3A_199, %sub3A_201 : vector<640x64xf32>
    %ge3A_203 = arith.constant 0.000000e+00 : f32
    %ge3A_204 = vector.broadcast %ge3A_203 : f32 to vector<640x64xf32>
    %ge3A_205 = arith.cmpf oge, %sub3A_202, %ge3A_204 : vector<640x64xf32>
    %jit3A_206 = arith.constant 1.000000e+00 : f32
    %jit3A_207 = arith.constant 0.000000e+00 : f32
    %broadcast_in_dim3A_208 = vector.broadcast %jit3A_206 : f32 to vector<640x64xf32>
    %broadcast_in_dim3A_209 = vector.broadcast %jit3A_207 : f32 to vector<640x64xf32>
    %select_n3A_210 = arith.select %ge3A_205, %broadcast_in_dim3A_208, %broadcast_in_dim3A_209 : vector<640x64xi1>, vector<640x64xf32>
    %add3A_211 = arith.addf %add3A_129, %select_n3A_210 : vector<640x64xf32>
    %get3A_212 = arith.constant 0 : index
    %get3A_213 = arith.constant 0 : index
    %get3A_214 = vector.load %arg11[%get3A_212, %get3A_213] : memref<1x64xf32, #tpu.memory_space<vmem>>, vector<1x64xf32>
    %get3A_215 = arith.constant 0 : index
    %get3A_216 = arith.constant 0 : index
    %get3A_217 = vector.load %arg12[%get3A_215, %get3A_216] : memref<1x64xf32, #tpu.memory_space<vmem>>, vector<1x64xf32>
    %reduce_sum3A_218 = arith.constant dense<0.000000e+00> : vector<64xf32>
    %reduce_sum3A_219 = vector.multi_reduction <add>, %add3A_211, %reduce_sum3A_218 [0] : vector<640x64xf32> to vector<64xf32>
    %broadcast_in_dim3A_220 = vector.shape_cast %reduce_sum3A_219 : vector<64xf32> to vector<1x64xf32>
    %div3A_221 = arith.constant 6.400000e+02 : f32
    %div3A_222 = vector.broadcast %div3A_221 : f32 to vector<1x64xf32>
    %div3A_223 = arith.divf %broadcast_in_dim3A_220, %div3A_222 : vector<1x64xf32>
    %sub3A_224 = vector.broadcast %div3A_223 : vector<1x64xf32> to vector<640x64xf32>
    %sub3A_225 = arith.subf %add3A_211, %sub3A_224 : vector<640x64xf32>
    %square3A_226 = arith.mulf %sub3A_225, %sub3A_225 : vector<640x64xf32>
    %reduce_sum3A_227 = arith.constant dense<0.000000e+00> : vector<64xf32>
    %reduce_sum3A_228 = vector.multi_reduction <add>, %square3A_226, %reduce_sum3A_227 [0] : vector<640x64xf32> to vector<64xf32>
    %broadcast_in_dim3A_229 = vector.shape_cast %reduce_sum3A_228 : vector<64xf32> to vector<1x64xf32>
    %div3A_230 = arith.constant 6.400000e+02 : f32
    %div3A_231 = vector.broadcast %div3A_230 : f32 to vector<1x64xf32>
    %div3A_232 = arith.divf %broadcast_in_dim3A_229, %div3A_231 : vector<1x64xf32>
    %sub3A_233 = vector.broadcast %div3A_223 : vector<1x64xf32> to vector<640x64xf32>
    %sub3A_234 = arith.subf %add3A_211, %sub3A_233 : vector<640x64xf32>
    %add3A_235 = arith.constant 9.99999974E-6 : f32
    %add3A_236 = vector.broadcast %add3A_235 : f32 to vector<1x64xf32>
    %add3A_237 = arith.addf %div3A_232, %add3A_236 : vector<1x64xf32>
    %sqrt3A_238 = math.sqrt %add3A_237 : vector<1x64xf32>
    %div3A_239 = vector.broadcast %sqrt3A_238 : vector<1x64xf32> to vector<640x64xf32>
    %div3A_240 = arith.divf %sub3A_234, %div3A_239 : vector<640x64xf32>
    %mul3A_241 = vector.broadcast %get3A_214 : vector<1x64xf32> to vector<640x64xf32>
    %mul3A_242 = arith.mulf %div3A_240, %mul3A_241 : vector<640x64xf32>
    %add3A_243 = vector.broadcast %get3A_217 : vector<1x64xf32> to vector<640x64xf32>
    %add3A_244 = arith.addf %mul3A_242, %add3A_243 : vector<640x64xf32>
    %get3A_245 = arith.constant 0 : index
    %get3A_246 = arith.constant 0 : index
    %get3A_247 = vector.load %arg13[%get3A_245, %get3A_246] : memref<64x192xf32, #tpu.memory_space<vmem>>, vector<64x192xf32>
    %dot_general3A_248 = arith.constant dense<0.000000e+00> : vector<640x192xf32>
    %dot_general3A_249 = tpu.matmul %add3A_244, %get3A_247, %dot_general3A_248 {dimension_numbers = #tpu.dot_dimension_numbers<[1], [0], [0], [1], [0, 0, 1, 1], [], []>, transpose_lhs_hint = false} : vector<640x64xf32>, vector<64x192xf32>, vector<640x192xf32> -> vector<640x192xf32>
    %swap3A_250 = arith.constant 0 : index
    %swap3A_251 = arith.constant 0 : index
    %swap3A_252 = vector.load %arg32[%swap3A_250, %swap3A_251] : memref<640x192xf32, #tpu.memory_space<vmem>>, vector<640x192xf32>
    tpu.vector_store %arg32[%swap3A_250, %swap3A_251], %dot_general3A_249 {strides = array<i32>} : memref<640x192xf32, #tpu.memory_space<vmem>>, vector<640x192xf32>,
    %scan3A_253 = arith.constant 0 : i32
    %scan3A_254 = arith.constant 40 : i32
    %scan3A_255 = arith.addi %scan3A_253, %scan3A_254 : i32
    %scan3A_256 = arith.constant 1 : i32
    scf.for %scan3A_489 = %scan3A_253 to %scan3A_255 step %scan3A_256  : i32 {
      %mul3A_490 = arith.constant 16 : i32
      %mul3A_491 = arith.muli %scan3A_489, %mul3A_490 : i32
      %get3A_492 = arith.index_cast %mul3A_491 : i32 to index
      %get3A_493 = arith.constant 0 : index
      %get3A_494 = vector.load %arg32[%get3A_492, %get3A_493] : memref<640x192xf32, #tpu.memory_space<vmem>>, vector<16x64xf32>
      %get3A_495 = arith.index_cast %mul3A_491 : i32 to index
      %get3A_496 = arith.constant 64 : index
      %get3A_497 = vector.load %arg32[%get3A_495, %get3A_496] : memref<640x192xf32, #tpu.memory_space<vmem>>, vector<16x64xf32>
      %get3A_498 = arith.index_cast %mul3A_491 : i32 to index
      %get3A_499 = arith.constant 128 : index
      %get3A_500 = vector.load %arg32[%get3A_498, %get3A_499] : memref<640x192xf32, #tpu.memory_space<vmem>>, vector<16x64xf32>
      %dot_general3A_501 = arith.constant dense<0.000000e+00> : vector<8x64xf32>
      %dot_general3A_502 = tpu.matmul %select_n3A_42, %get3A_494, %dot_general3A_501 {dimension_numbers = #tpu.dot_dimension_numbers<[1], [0], [0], [1], [0, 0, 1, 1], [], []>, transpose_lhs_hint = false} : vector<8x16xf32>, vector<16x64xf32>, vector<8x64xf32> -> vector<8x64xf32>
      %dot_general3A_503 = arith.constant dense<0.000000e+00> : vector<8x64xf32>
      %dot_general3A_504 = tpu.matmul %select_n3A_42, %get3A_497, %dot_general3A_503 {dimension_numbers = #tpu.dot_dimension_numbers<[1], [0], [0], [1], [0, 0, 1, 1], [], []>, transpose_lhs_hint = false} : vector<8x16xf32>, vector<16x64xf32>, vector<8x64xf32> -> vector<8x64xf32>
      %dot_general3A_505 = arith.constant dense<0.000000e+00> : vector<8x8xf32>
      %dot_general3A_506 = tpu.matmul %dot_general3A_502, %dot_general3A_504, %dot_general3A_505 {dimension_numbers = #tpu.dot_dimension_numbers<[1], [1], [0], [0], [0, 0, 1, 0], [], []>, transpose_lhs_hint = false} : vector<8x64xf32>, vector<8x64xf32>, vector<8x8xf32> -> vector<8x8xf32>
      %broadcast_in_dim3A_507 = arith.constant 0.000000e+00 : f32
      %broadcast_in_dim3A_508 = vector.broadcast %broadcast_in_dim3A_507 : f32 to vector<8x8xf32>
      %slice3A = vector.extract_strided_slice %dot_general3A_506 {offsets = [0, 0], sizes = [8, 1], strides = [1, 1]} : vector<8x8xf32> to vector<8x1xf32>
      %gt3A = vector.broadcast %slice3A : vector<8x1xf32> to vector<8x8xf32>
      %gt3A_509 = arith.cmpf ogt, %gt3A, %dot_general3A_506 : vector<8x8xf32>
      %jit3A_510 = arith.constant 1.000000e+00 : f32
      %jit3A_511 = arith.constant 0.000000e+00 : f32
      %broadcast_in_dim3A_512 = vector.broadcast %jit3A_510 : f32 to vector<8x8xf32>
      %broadcast_in_dim3A_513 = vector.broadcast %jit3A_511 : f32 to vector<8x8xf32>
      %select_n3A_514 = arith.select %gt3A_509, %broadcast_in_dim3A_512, %broadcast_in_dim3A_513 : vector<8x8xi1>, vector<8x8xf32>
      %eq3A_515 = vector.broadcast %slice3A : vector<8x1xf32> to vector<8x8xf32>
      %eq3A_516 = arith.cmpf oeq, %eq3A_515, %dot_general3A_506 : vector<8x8xf32>
      %gt3A_517 = arith.constant 0 : i32
      %gt3A_518 = vector.broadcast %gt3A_517 : i32 to vector<8x8xi32>
      %gt3A_519 = arith.cmpi sgt, %iota3A_82, %gt3A_518 : vector<8x8xi32>
      %and3A_520 = arith.andi %eq3A_516, %gt3A_519 : vector<8x8xi1>
      %jit3A_521 = arith.constant 1.000000e+00 : f32
      %jit3A_522 = arith.constant 0.000000e+00 : f32
      %broadcast_in_dim3A_523 = vector.broadcast %jit3A_521 : f32 to vector<8x8xf32>
      %broadcast_in_dim3A_524 = vector.broadcast %jit3A_522 : f32 to vector<8x8xf32>
      %select_n3A_525 = arith.select %and3A_520, %broadcast_in_dim3A_523, %broadcast_in_dim3A_524 : vector<8x8xi1>, vector<8x8xf32>
      %add3A_526 = arith.addf %broadcast_in_dim3A_508, %select_n3A_514 : vector<8x8xf32>
      %add3A_527 = arith.addf %add3A_526, %select_n3A_525 : vector<8x8xf32>
      %slice3A_528 = vector.extract_strided_slice %dot_general3A_506 {offsets = [0, 1], sizes = [8, 1], strides = [1, 1]} : vector<8x8xf32> to vector<8x1xf32>
      %gt3A_529 = vector.broadcast %slice3A_528 : vector<8x1xf32> to vector<8x8xf32>
      %gt3A_530 = arith.cmpf ogt, %gt3A_529, %dot_general3A_506 : vector<8x8xf32>
      %jit3A_531 = arith.constant 1.000000e+00 : f32
      %jit3A_532 = arith.constant 0.000000e+00 : f32
      %broadcast_in_dim3A_533 = vector.broadcast %jit3A_531 : f32 to vector<8x8xf32>
      %broadcast_in_dim3A_534 = vector.broadcast %jit3A_532 : f32 to vector<8x8xf32>
      %select_n3A_535 = arith.select %gt3A_530, %broadcast_in_dim3A_533, %broadcast_in_dim3A_534 : vector<8x8xi1>, vector<8x8xf32>
      %eq3A_536 = vector.broadcast %slice3A_528 : vector<8x1xf32> to vector<8x8xf32>
      %eq3A_537 = arith.cmpf oeq, %eq3A_536, %dot_general3A_506 : vector<8x8xf32>
      %gt3A_538 = arith.constant 1 : i32
      %gt3A_539 = vector.broadcast %gt3A_538 : i32 to vector<8x8xi32>
      %gt3A_540 = arith.cmpi sgt, %iota3A_82, %gt3A_539 : vector<8x8xi32>
      %and3A_541 = arith.andi %eq3A_537, %gt3A_540 : vector<8x8xi1>
      %jit3A_542 = arith.constant 1.000000e+00 : f32
      %jit3A_543 = arith.constant 0.000000e+00 : f32
      %broadcast_in_dim3A_544 = vector.broadcast %jit3A_542 : f32 to vector<8x8xf32>
      %broadcast_in_dim3A_545 = vector.broadcast %jit3A_543 : f32 to vector<8x8xf32>
      %select_n3A_546 = arith.select %and3A_541, %broadcast_in_dim3A_544, %broadcast_in_dim3A_545 : vector<8x8xi1>, vector<8x8xf32>
      %add3A_547 = arith.addf %add3A_527, %select_n3A_535 : vector<8x8xf32>
      %add3A_548 = arith.addf %add3A_547, %select_n3A_546 : vector<8x8xf32>
      %slice3A_549 = vector.extract_strided_slice %dot_general3A_506 {offsets = [0, 2], sizes = [8, 1], strides = [1, 1]} : vector<8x8xf32> to vector<8x1xf32>
      %gt3A_550 = vector.broadcast %slice3A_549 : vector<8x1xf32> to vector<8x8xf32>
      %gt3A_551 = arith.cmpf ogt, %gt3A_550, %dot_general3A_506 : vector<8x8xf32>
      %jit3A_552 = arith.constant 1.000000e+00 : f32
      %jit3A_553 = arith.constant 0.000000e+00 : f32
      %broadcast_in_dim3A_554 = vector.broadcast %jit3A_552 : f32 to vector<8x8xf32>
      %broadcast_in_dim3A_555 = vector.broadcast %jit3A_553 : f32 to vector<8x8xf32>
      %select_n3A_556 = arith.select %gt3A_551, %broadcast_in_dim3A_554, %broadcast_in_dim3A_555 : vector<8x8xi1>, vector<8x8xf32>
      %eq3A_557 = vector.broadcast %slice3A_549 : vector<8x1xf32> to vector<8x8xf32>
      %eq3A_558 = arith.cmpf oeq, %eq3A_557, %dot_general3A_506 : vector<8x8xf32>
      %gt3A_559 = arith.constant 2 : i32
      %gt3A_560 = vector.broadcast %gt3A_559 : i32 to vector<8x8xi32>
      %gt3A_561 = arith.cmpi sgt, %iota3A_82, %gt3A_560 : vector<8x8xi32>
      %and3A_562 = arith.andi %eq3A_558, %gt3A_561 : vector<8x8xi1>
      %jit3A_563 = arith.constant 1.000000e+00 : f32
      %jit3A_564 = arith.constant 0.000000e+00 : f32
      %broadcast_in_dim3A_565 = vector.broadcast %jit3A_563 : f32 to vector<8x8xf32>
      %broadcast_in_dim3A_566 = vector.broadcast %jit3A_564 : f32 to vector<8x8xf32>
      %select_n3A_567 = arith.select %and3A_562, %broadcast_in_dim3A_565, %broadcast_in_dim3A_566 : vector<8x8xi1>, vector<8x8xf32>
      %add3A_568 = arith.addf %add3A_548, %select_n3A_556 : vector<8x8xf32>
      %add3A_569 = arith.addf %add3A_568, %select_n3A_567 : vector<8x8xf32>
      %slice3A_570 = vector.extract_strided_slice %dot_general3A_506 {offsets = [0, 3], sizes = [8, 1], strides = [1, 1]} : vector<8x8xf32> to vector<8x1xf32>
      %gt3A_571 = vector.broadcast %slice3A_570 : vector<8x1xf32> to vector<8x8xf32>
      %gt3A_572 = arith.cmpf ogt, %gt3A_571, %dot_general3A_506 : vector<8x8xf32>
      %jit3A_573 = arith.constant 1.000000e+00 : f32
      %jit3A_574 = arith.constant 0.000000e+00 : f32
      %broadcast_in_dim3A_575 = vector.broadcast %jit3A_573 : f32 to vector<8x8xf32>
      %broadcast_in_dim3A_576 = vector.broadcast %jit3A_574 : f32 to vector<8x8xf32>
      %select_n3A_577 = arith.select %gt3A_572, %broadcast_in_dim3A_575, %broadcast_in_dim3A_576 : vector<8x8xi1>, vector<8x8xf32>
      %eq3A_578 = vector.broadcast %slice3A_570 : vector<8x1xf32> to vector<8x8xf32>
      %eq3A_579 = arith.cmpf oeq, %eq3A_578, %dot_general3A_506 : vector<8x8xf32>
      %gt3A_580 = arith.constant 3 : i32
      %gt3A_581 = vector.broadcast %gt3A_580 : i32 to vector<8x8xi32>
      %gt3A_582 = arith.cmpi sgt, %iota3A_82, %gt3A_581 : vector<8x8xi32>
      %and3A_583 = arith.andi %eq3A_579, %gt3A_582 : vector<8x8xi1>
      %jit3A_584 = arith.constant 1.000000e+00 : f32
      %jit3A_585 = arith.constant 0.000000e+00 : f32
      %broadcast_in_dim3A_586 = vector.broadcast %jit3A_584 : f32 to vector<8x8xf32>
      %broadcast_in_dim3A_587 = vector.broadcast %jit3A_585 : f32 to vector<8x8xf32>
      %select_n3A_588 = arith.select %and3A_583, %broadcast_in_dim3A_586, %broadcast_in_dim3A_587 : vector<8x8xi1>, vector<8x8xf32>
      %add3A_589 = arith.addf %add3A_569, %select_n3A_577 : vector<8x8xf32>
      %add3A_590 = arith.addf %add3A_589, %select_n3A_588 : vector<8x8xf32>
      %slice3A_591 = vector.extract_strided_slice %dot_general3A_506 {offsets = [0, 4], sizes = [8, 1], strides = [1, 1]} : vector<8x8xf32> to vector<8x1xf32>
      %gt3A_592 = vector.broadcast %slice3A_591 : vector<8x1xf32> to vector<8x8xf32>
      %gt3A_593 = arith.cmpf ogt, %gt3A_592, %dot_general3A_506 : vector<8x8xf32>
      %jit3A_594 = arith.constant 1.000000e+00 : f32
      %jit3A_595 = arith.constant 0.000000e+00 : f32
      %broadcast_in_dim3A_596 = vector.broadcast %jit3A_594 : f32 to vector<8x8xf32>
      %broadcast_in_dim3A_597 = vector.broadcast %jit3A_595 : f32 to vector<8x8xf32>
      %select_n3A_598 = arith.select %gt3A_593, %broadcast_in_dim3A_596, %broadcast_in_dim3A_597 : vector<8x8xi1>, vector<8x8xf32>
      %eq3A_599 = vector.broadcast %slice3A_591 : vector<8x1xf32> to vector<8x8xf32>
      %eq3A_600 = arith.cmpf oeq, %eq3A_599, %dot_general3A_506 : vector<8x8xf32>
      %gt3A_601 = arith.constant 4 : i32
      %gt3A_602 = vector.broadcast %gt3A_601 : i32 to vector<8x8xi32>
      %gt3A_603 = arith.cmpi sgt, %iota3A_82, %gt3A_602 : vector<8x8xi32>
      %and3A_604 = arith.andi %eq3A_600, %gt3A_603 : vector<8x8xi1>
      %jit3A_605 = arith.constant 1.000000e+00 : f32
      %jit3A_606 = arith.constant 0.000000e+00 : f32
      %broadcast_in_dim3A_607 = vector.broadcast %jit3A_605 : f32 to vector<8x8xf32>
      %broadcast_in_dim3A_608 = vector.broadcast %jit3A_606 : f32 to vector<8x8xf32>
      %select_n3A_609 = arith.select %and3A_604, %broadcast_in_dim3A_607, %broadcast_in_dim3A_608 : vector<8x8xi1>, vector<8x8xf32>
      %add3A_610 = arith.addf %add3A_590, %select_n3A_598 : vector<8x8xf32>
      %add3A_611 = arith.addf %add3A_610, %select_n3A_609 : vector<8x8xf32>
      %slice3A_612 = vector.extract_strided_slice %dot_general3A_506 {offsets = [0, 5], sizes = [8, 1], strides = [1, 1]} : vector<8x8xf32> to vector<8x1xf32>
      %gt3A_613 = vector.broadcast %slice3A_612 : vector<8x1xf32> to vector<8x8xf32>
      %gt3A_614 = arith.cmpf ogt, %gt3A_613, %dot_general3A_506 : vector<8x8xf32>
      %jit3A_615 = arith.constant 1.000000e+00 : f32
      %jit3A_616 = arith.constant 0.000000e+00 : f32
      %broadcast_in_dim3A_617 = vector.broadcast %jit3A_615 : f32 to vector<8x8xf32>
      %broadcast_in_dim3A_618 = vector.broadcast %jit3A_616 : f32 to vector<8x8xf32>
      %select_n3A_619 = arith.select %gt3A_614, %broadcast_in_dim3A_617, %broadcast_in_dim3A_618 : vector<8x8xi1>, vector<8x8xf32>
      %eq3A_620 = vector.broadcast %slice3A_612 : vector<8x1xf32> to vector<8x8xf32>
      %eq3A_621 = arith.cmpf oeq, %eq3A_620, %dot_general3A_506 : vector<8x8xf32>
      %gt3A_622 = arith.constant 5 : i32
      %gt3A_623 = vector.broadcast %gt3A_622 : i32 to vector<8x8xi32>
      %gt3A_624 = arith.cmpi sgt, %iota3A_82, %gt3A_623 : vector<8x8xi32>
      %and3A_625 = arith.andi %eq3A_621, %gt3A_624 : vector<8x8xi1>
      %jit3A_626 = arith.constant 1.000000e+00 : f32
      %jit3A_627 = arith.constant 0.000000e+00 : f32
      %broadcast_in_dim3A_628 = vector.broadcast %jit3A_626 : f32 to vector<8x8xf32>
      %broadcast_in_dim3A_629 = vector.broadcast %jit3A_627 : f32 to vector<8x8xf32>
      %select_n3A_630 = arith.select %and3A_625, %broadcast_in_dim3A_628, %broadcast_in_dim3A_629 : vector<8x8xi1>, vector<8x8xf32>
      %add3A_631 = arith.addf %add3A_611, %select_n3A_619 : vector<8x8xf32>
      %add3A_632 = arith.addf %add3A_631, %select_n3A_630 : vector<8x8xf32>
      %slice3A_633 = vector.extract_strided_slice %dot_general3A_506 {offsets = [0, 6], sizes = [8, 1], strides = [1, 1]} : vector<8x8xf32> to vector<8x1xf32>
      %gt3A_634 = vector.broadcast %slice3A_633 : vector<8x1xf32> to vector<8x8xf32>
      %gt3A_635 = arith.cmpf ogt, %gt3A_634, %dot_general3A_506 : vector<8x8xf32>
      %jit3A_636 = arith.constant 1.000000e+00 : f32
      %jit3A_637 = arith.constant 0.000000e+00 : f32
      %broadcast_in_dim3A_638 = vector.broadcast %jit3A_636 : f32 to vector<8x8xf32>
      %broadcast_in_dim3A_639 = vector.broadcast %jit3A_637 : f32 to vector<8x8xf32>
      %select_n3A_640 = arith.select %gt3A_635, %broadcast_in_dim3A_638, %broadcast_in_dim3A_639 : vector<8x8xi1>, vector<8x8xf32>
      %eq3A_641 = vector.broadcast %slice3A_633 : vector<8x1xf32> to vector<8x8xf32>
      %eq3A_642 = arith.cmpf oeq, %eq3A_641, %dot_general3A_506 : vector<8x8xf32>
      %gt3A_643 = arith.constant 6 : i32
      %gt3A_644 = vector.broadcast %gt3A_643 : i32 to vector<8x8xi32>
      %gt3A_645 = arith.cmpi sgt, %iota3A_82, %gt3A_644 : vector<8x8xi32>
      %and3A_646 = arith.andi %eq3A_642, %gt3A_645 : vector<8x8xi1>
      %jit3A_647 = arith.constant 1.000000e+00 : f32
      %jit3A_648 = arith.constant 0.000000e+00 : f32
      %broadcast_in_dim3A_649 = vector.broadcast %jit3A_647 : f32 to vector<8x8xf32>
      %broadcast_in_dim3A_650 = vector.broadcast %jit3A_648 : f32 to vector<8x8xf32>
      %select_n3A_651 = arith.select %and3A_646, %broadcast_in_dim3A_649, %broadcast_in_dim3A_650 : vector<8x8xi1>, vector<8x8xf32>
      %add3A_652 = arith.addf %add3A_632, %select_n3A_640 : vector<8x8xf32>
      %add3A_653 = arith.addf %add3A_652, %select_n3A_651 : vector<8x8xf32>
      %slice3A_654 = vector.extract_strided_slice %dot_general3A_506 {offsets = [0, 7], sizes = [8, 1], strides = [1, 1]} : vector<8x8xf32> to vector<8x1xf32>
      %gt3A_655 = vector.broadcast %slice3A_654 : vector<8x1xf32> to vector<8x8xf32>
      %gt3A_656 = arith.cmpf ogt, %gt3A_655, %dot_general3A_506 : vector<8x8xf32>
      %jit3A_657 = arith.constant 1.000000e+00 : f32
      %jit3A_658 = arith.constant 0.000000e+00 : f32
      %broadcast_in_dim3A_659 = vector.broadcast %jit3A_657 : f32 to vector<8x8xf32>
      %broadcast_in_dim3A_660 = vector.broadcast %jit3A_658 : f32 to vector<8x8xf32>
      %select_n3A_661 = arith.select %gt3A_656, %broadcast_in_dim3A_659, %broadcast_in_dim3A_660 : vector<8x8xi1>, vector<8x8xf32>
      %eq3A_662 = vector.broadcast %slice3A_654 : vector<8x1xf32> to vector<8x8xf32>
      %eq3A_663 = arith.cmpf oeq, %eq3A_662, %dot_general3A_506 : vector<8x8xf32>
      %gt3A_664 = arith.constant 7 : i32
      %gt3A_665 = vector.broadcast %gt3A_664 : i32 to vector<8x8xi32>
      %gt3A_666 = arith.cmpi sgt, %iota3A_82, %gt3A_665 : vector<8x8xi32>
      %and3A_667 = arith.andi %eq3A_663, %gt3A_666 : vector<8x8xi1>
      %jit3A_668 = arith.constant 1.000000e+00 : f32
      %jit3A_669 = arith.constant 0.000000e+00 : f32
      %broadcast_in_dim3A_670 = vector.broadcast %jit3A_668 : f32 to vector<8x8xf32>
      %broadcast_in_dim3A_671 = vector.broadcast %jit3A_669 : f32 to vector<8x8xf32>
      %select_n3A_672 = arith.select %and3A_667, %broadcast_in_dim3A_670, %broadcast_in_dim3A_671 : vector<8x8xi1>, vector<8x8xf32>
      %add3A_673 = arith.addf %add3A_653, %select_n3A_661 : vector<8x8xf32>
      %add3A_674 = arith.addf %add3A_673, %select_n3A_672 : vector<8x8xf32>
      %lt3A = arith.constant 4.000000e+00 : f32
      %lt3A_675 = vector.broadcast %lt3A : f32 to vector<8x8xf32>
      %lt3A_676 = arith.cmpf olt, %add3A_674, %lt3A_675 : vector<8x8xf32>
      %jit3A_677 = arith.constant 1.000000e+00 : f32
      %jit3A_678 = arith.constant 0.000000e+00 : f32
      %broadcast_in_dim3A_679 = vector.broadcast %jit3A_677 : f32 to vector<8x8xf32>
      %broadcast_in_dim3A_680 = vector.broadcast %jit3A_678 : f32 to vector<8x8xf32>
      %select_n3A_681 = arith.select %lt3A_676, %broadcast_in_dim3A_679, %broadcast_in_dim3A_680 : vector<8x8xi1>, vector<8x8xf32>
      %dot_general3A_682 = arith.constant dense<0.000000e+00> : vector<16x8xf32>
      %dot_general3A_683 = tpu.matmul %select_n3A_81, %select_n3A_681, %dot_general3A_682 {dimension_numbers = #tpu.dot_dimension_numbers<[1], [0], [0], [1], [0, 0, 1, 1], [], []>, transpose_lhs_hint = false} : vector<16x8xf32>, vector<8x8xf32>, vector<16x8xf32> -> vector<16x8xf32>
      %dot_general3A_684 = arith.constant dense<0.000000e+00> : vector<16x16xf32>
      %dot_general3A_685 = tpu.matmul %dot_general3A_683, %select_n3A_81, %dot_general3A_684 {dimension_numbers = #tpu.dot_dimension_numbers<[1], [1], [0], [0], [0, 0, 1, 0], [], []>, transpose_lhs_hint = false} : vector<16x8xf32>, vector<16x8xf32>, vector<16x16xf32> -> vector<16x16xf32>
      %sub3A_686 = arith.constant 1.000000e+00 : f32
      %sub3A_687 = vector.broadcast %sub3A_686 : f32 to vector<16x16xf32>
      %sub3A_688 = arith.subf %dot_general3A_685, %sub3A_687 : vector<16x16xf32>
      %mul3A_689 = arith.constant 1.000000e+30 : f32
      %mul3A_690 = vector.broadcast %mul3A_689 : f32 to vector<16x16xf32>
      %mul3A_691 = arith.mulf %sub3A_688, %mul3A_690 : vector<16x16xf32>
      %slice3A_692 = vector.extract_strided_slice %get3A_494 {offsets = [0, 0], sizes = [16, 16], strides = [1, 1]} : vector<16x64xf32> to vector<16x16xf32>
      %slice3A_693 = vector.extract_strided_slice %get3A_497 {offsets = [0, 0], sizes = [16, 16], strides = [1, 1]} : vector<16x64xf32> to vector<16x16xf32>
      %slice3A_694 = vector.extract_strided_slice %get3A_500 {offsets = [0, 0], sizes = [16, 16], strides = [1, 1]} : vector<16x64xf32> to vector<16x16xf32>
      %dot_general3A_695 = arith.constant dense<0.000000e+00> : vector<16x16xf32>
      %dot_general3A_696 = tpu.matmul %slice3A_692, %slice3A_693, %dot_general3A_695 {dimension_numbers = #tpu.dot_dimension_numbers<[1], [1], [0], [0], [0, 0, 1, 0], [], []>, transpose_lhs_hint = false} : vector<16x16xf32>, vector<16x16xf32>, vector<16x16xf32> -> vector<16x16xf32>
      %div3A_697 = arith.constant 4.000000e+00 : f32
      %div3A_698 = vector.broadcast %div3A_697 : f32 to vector<16x16xf32>
      %div3A_699 = arith.divf %dot_general3A_696, %div3A_698 : vector<16x16xf32>
      %add3A_700 = arith.addf %div3A_699, %mul3A_691 : vector<16x16xf32>
      %reduce_max3A = arith.constant dense<0xFF800000> : vector<16xf32>
      %reduce_max3A_701 = vector.multi_reduction <maximumf>, %add3A_700, %reduce_max3A [1] : vector<16x16xf32> to vector<16xf32>
      %broadcast_in_dim3A_702 = vector.shape_cast %reduce_max3A_701 : vector<16xf32> to vector<16x1xf32>
      %sub3A_703 = vector.broadcast %broadcast_in_dim3A_702 : vector<16x1xf32> to vector<16x16xf32>
      %sub3A_704 = arith.subf %add3A_700, %sub3A_703 : vector<16x16xf32>
      %exp3A = math.exp %sub3A_704 : vector<16x16xf32>
      %reduce_sum3A_705 = arith.constant dense<0.000000e+00> : vector<16xf32>
      %reduce_sum3A_706 = vector.multi_reduction <add>, %exp3A, %reduce_sum3A_705 [1] : vector<16x16xf32> to vector<16xf32>
      %broadcast_in_dim3A_707 = vector.shape_cast %reduce_sum3A_706 : vector<16xf32> to vector<16x1xf32>
      %div3A_708 = vector.broadcast %broadcast_in_dim3A_707 : vector<16x1xf32> to vector<16x16xf32>
      %div3A_709 = arith.divf %exp3A, %div3A_708 : vector<16x16xf32>
      %dot_general3A_710 = arith.constant dense<0.000000e+00> : vector<16x16xf32>
      %dot_general3A_711 = tpu.matmul %div3A_709, %slice3A_694, %dot_general3A_710 {dimension_numbers = #tpu.dot_dimension_numbers<[1], [0], [0], [1], [0, 0, 1, 1], [], []>, transpose_lhs_hint = false} : vector<16x16xf32>, vector<16x16xf32>, vector<16x16xf32> -> vector<16x16xf32>
      %swap3A_712 = arith.index_cast %mul3A_491 : i32 to index
      %swap3A_713 = arith.constant 0 : index
      %swap3A_714 = vector.load %arg33[%swap3A_712, %swap3A_713] : memref<640x64xf32, #tpu.memory_space<vmem>>, vector<16x16xf32>
      tpu.vector_store %arg33[%swap3A_712, %swap3A_713], %dot_general3A_711 {strides = array<i32>} : memref<640x64xf32, #tpu.memory_space<vmem>>, vector<16x16xf32>,
      %slice3A_715 = vector.extract_strided_slice %get3A_494 {offsets = [0, 16], sizes = [16, 16], strides = [1, 1]} : vector<16x64xf32> to vector<16x16xf32>
      %slice3A_716 = vector.extract_strided_slice %get3A_497 {offsets = [0, 16], sizes = [16, 16], strides = [1, 1]} : vector<16x64xf32> to vector<16x16xf32>
      %slice3A_717 = vector.extract_strided_slice %get3A_500 {offsets = [0, 16], sizes = [16, 16], strides = [1, 1]} : vector<16x64xf32> to vector<16x16xf32>
      %dot_general3A_718 = arith.constant dense<0.000000e+00> : vector<16x16xf32>
      %dot_general3A_719 = tpu.matmul %slice3A_715, %slice3A_716, %dot_general3A_718 {dimension_numbers = #tpu.dot_dimension_numbers<[1], [1], [0], [0], [0, 0, 1, 0], [], []>, transpose_lhs_hint = false} : vector<16x16xf32>, vector<16x16xf32>, vector<16x16xf32> -> vector<16x16xf32>
      %div3A_720 = arith.constant 4.000000e+00 : f32
      %div3A_721 = vector.broadcast %div3A_720 : f32 to vector<16x16xf32>
      %div3A_722 = arith.divf %dot_general3A_719, %div3A_721 : vector<16x16xf32>
      %add3A_723 = arith.addf %div3A_722, %mul3A_691 : vector<16x16xf32>
      %reduce_max3A_724 = arith.constant dense<0xFF800000> : vector<16xf32>
      %reduce_max3A_725 = vector.multi_reduction <maximumf>, %add3A_723, %reduce_max3A_724 [1] : vector<16x16xf32> to vector<16xf32>
      %broadcast_in_dim3A_726 = vector.shape_cast %reduce_max3A_725 : vector<16xf32> to vector<16x1xf32>
      %sub3A_727 = vector.broadcast %broadcast_in_dim3A_726 : vector<16x1xf32> to vector<16x16xf32>
      %sub3A_728 = arith.subf %add3A_723, %sub3A_727 : vector<16x16xf32>
      %exp3A_729 = math.exp %sub3A_728 : vector<16x16xf32>
      %reduce_sum3A_730 = arith.constant dense<0.000000e+00> : vector<16xf32>
      %reduce_sum3A_731 = vector.multi_reduction <add>, %exp3A_729, %reduce_sum3A_730 [1] : vector<16x16xf32> to vector<16xf32>
      %broadcast_in_dim3A_732 = vector.shape_cast %reduce_sum3A_731 : vector<16xf32> to vector<16x1xf32>
      %div3A_733 = vector.broadcast %broadcast_in_dim3A_732 : vector<16x1xf32> to vector<16x16xf32>
      %div3A_734 = arith.divf %exp3A_729, %div3A_733 : vector<16x16xf32>
      %dot_general3A_735 = arith.constant dense<0.000000e+00> : vector<16x16xf32>
      %dot_general3A_736 = tpu.matmul %div3A_734, %slice3A_717, %dot_general3A_735 {dimension_numbers = #tpu.dot_dimension_numbers<[1], [0], [0], [1], [0, 0, 1, 1], [], []>, transpose_lhs_hint = false} : vector<16x16xf32>, vector<16x16xf32>, vector<16x16xf32> -> vector<16x16xf32>
      %swap3A_737 = arith.index_cast %mul3A_491 : i32 to index
      %swap3A_738 = arith.constant 16 : index
      %swap3A_739 = vector.load %arg33[%swap3A_737, %swap3A_738] : memref<640x64xf32, #tpu.memory_space<vmem>>, vector<16x16xf32>
      tpu.vector_store %arg33[%swap3A_737, %swap3A_738], %dot_general3A_736 {strides = array<i32>} : memref<640x64xf32, #tpu.memory_space<vmem>>, vector<16x16xf32>,
      %slice3A_740 = vector.extract_strided_slice %get3A_494 {offsets = [0, 32], sizes = [16, 16], strides = [1, 1]} : vector<16x64xf32> to vector<16x16xf32>
      %slice3A_741 = vector.extract_strided_slice %get3A_497 {offsets = [0, 32], sizes = [16, 16], strides = [1, 1]} : vector<16x64xf32> to vector<16x16xf32>
      %slice3A_742 = vector.extract_strided_slice %get3A_500 {offsets = [0, 32], sizes = [16, 16], strides = [1, 1]} : vector<16x64xf32> to vector<16x16xf32>
      %dot_general3A_743 = arith.constant dense<0.000000e+00> : vector<16x16xf32>
      %dot_general3A_744 = tpu.matmul %slice3A_740, %slice3A_741, %dot_general3A_743 {dimension_numbers = #tpu.dot_dimension_numbers<[1], [1], [0], [0], [0, 0, 1, 0], [], []>, transpose_lhs_hint = false} : vector<16x16xf32>, vector<16x16xf32>, vector<16x16xf32> -> vector<16x16xf32>
      %div3A_745 = arith.constant 4.000000e+00 : f32
      %div3A_746 = vector.broadcast %div3A_745 : f32 to vector<16x16xf32>
      %div3A_747 = arith.divf %dot_general3A_744, %div3A_746 : vector<16x16xf32>
      %add3A_748 = arith.addf %div3A_747, %mul3A_691 : vector<16x16xf32>
      %reduce_max3A_749 = arith.constant dense<0xFF800000> : vector<16xf32>
      %reduce_max3A_750 = vector.multi_reduction <maximumf>, %add3A_748, %reduce_max3A_749 [1] : vector<16x16xf32> to vector<16xf32>
      %broadcast_in_dim3A_751 = vector.shape_cast %reduce_max3A_750 : vector<16xf32> to vector<16x1xf32>
      %sub3A_752 = vector.broadcast %broadcast_in_dim3A_751 : vector<16x1xf32> to vector<16x16xf32>
      %sub3A_753 = arith.subf %add3A_748, %sub3A_752 : vector<16x16xf32>
      %exp3A_754 = math.exp %sub3A_753 : vector<16x16xf32>
      %reduce_sum3A_755 = arith.constant dense<0.000000e+00> : vector<16xf32>
      %reduce_sum3A_756 = vector.multi_reduction <add>, %exp3A_754, %reduce_sum3A_755 [1] : vector<16x16xf32> to vector<16xf32>
      %broadcast_in_dim3A_757 = vector.shape_cast %reduce_sum3A_756 : vector<16xf32> to vector<16x1xf32>
      %div3A_758 = vector.broadcast %broadcast_in_dim3A_757 : vector<16x1xf32> to vector<16x16xf32>
      %div3A_759 = arith.divf %exp3A_754, %div3A_758 : vector<16x16xf32>
      %dot_general3A_760 = arith.constant dense<0.000000e+00> : vector<16x16xf32>
      %dot_general3A_761 = tpu.matmul %div3A_759, %slice3A_742, %dot_general3A_760 {dimension_numbers = #tpu.dot_dimension_numbers<[1], [0], [0], [1], [0, 0, 1, 1], [], []>, transpose_lhs_hint = false} : vector<16x16xf32>, vector<16x16xf32>, vector<16x16xf32> -> vector<16x16xf32>
      %swap3A_762 = arith.index_cast %mul3A_491 : i32 to index
      %swap3A_763 = arith.constant 32 : index
      %swap3A_764 = vector.load %arg33[%swap3A_762, %swap3A_763] : memref<640x64xf32, #tpu.memory_space<vmem>>, vector<16x16xf32>
      tpu.vector_store %arg33[%swap3A_762, %swap3A_763], %dot_general3A_761 {strides = array<i32>} : memref<640x64xf32, #tpu.memory_space<vmem>>, vector<16x16xf32>,
      %slice3A_765 = vector.extract_strided_slice %get3A_494 {offsets = [0, 48], sizes = [16, 16], strides = [1, 1]} : vector<16x64xf32> to vector<16x16xf32>
      %slice3A_766 = vector.extract_strided_slice %get3A_497 {offsets = [0, 48], sizes = [16, 16], strides = [1, 1]} : vector<16x64xf32> to vector<16x16xf32>
      %slice3A_767 = vector.extract_strided_slice %get3A_500 {offsets = [0, 48], sizes = [16, 16], strides = [1, 1]} : vector<16x64xf32> to vector<16x16xf32>
      %dot_general3A_768 = arith.constant dense<0.000000e+00> : vector<16x16xf32>
      %dot_general3A_769 = tpu.matmul %slice3A_765, %slice3A_766, %dot_general3A_768 {dimension_numbers = #tpu.dot_dimension_numbers<[1], [1], [0], [0], [0, 0, 1, 0], [], []>, transpose_lhs_hint = false} : vector<16x16xf32>, vector<16x16xf32>, vector<16x16xf32> -> vector<16x16xf32>
      %div3A_770 = arith.constant 4.000000e+00 : f32
      %div3A_771 = vector.broadcast %div3A_770 : f32 to vector<16x16xf32>
      %div3A_772 = arith.divf %dot_general3A_769, %div3A_771 : vector<16x16xf32>
      %add3A_773 = arith.addf %div3A_772, %mul3A_691 : vector<16x16xf32>
      %reduce_max3A_774 = arith.constant dense<0xFF800000> : vector<16xf32>
      %reduce_max3A_775 = vector.multi_reduction <maximumf>, %add3A_773, %reduce_max3A_774 [1] : vector<16x16xf32> to vector<16xf32>
      %broadcast_in_dim3A_776 = vector.shape_cast %reduce_max3A_775 : vector<16xf32> to vector<16x1xf32>
      %sub3A_777 = vector.broadcast %broadcast_in_dim3A_776 : vector<16x1xf32> to vector<16x16xf32>
      %sub3A_778 = arith.subf %add3A_773, %sub3A_777 : vector<16x16xf32>
      %exp3A_779 = math.exp %sub3A_778 : vector<16x16xf32>
      %reduce_sum3A_780 = arith.constant dense<0.000000e+00> : vector<16xf32>
      %reduce_sum3A_781 = vector.multi_reduction <add>, %exp3A_779, %reduce_sum3A_780 [1] : vector<16x16xf32> to vector<16xf32>
      %broadcast_in_dim3A_782 = vector.shape_cast %reduce_sum3A_781 : vector<16xf32> to vector<16x1xf32>
      %div3A_783 = vector.broadcast %broadcast_in_dim3A_782 : vector<16x1xf32> to vector<16x16xf32>
      %div3A_784 = arith.divf %exp3A_779, %div3A_783 : vector<16x16xf32>
      %dot_general3A_785 = arith.constant dense<0.000000e+00> : vector<16x16xf32>
      %dot_general3A_786 = tpu.matmul %div3A_784, %slice3A_767, %dot_general3A_785 {dimension_numbers = #tpu.dot_dimension_numbers<[1], [0], [0], [1], [0, 0, 1, 1], [], []>, transpose_lhs_hint = false} : vector<16x16xf32>, vector<16x16xf32>, vector<16x16xf32> -> vector<16x16xf32>
      %swap3A_787 = arith.index_cast %mul3A_491 : i32 to index
      %swap3A_788 = arith.constant 48 : index
      %swap3A_789 = vector.load %arg33[%swap3A_787, %swap3A_788] : memref<640x64xf32, #tpu.memory_space<vmem>>, vector<16x16xf32>
      tpu.vector_store %arg33[%swap3A_787, %swap3A_788], %dot_general3A_786 {strides = array<i32>} : memref<640x64xf32, #tpu.memory_space<vmem>>, vector<16x16xf32>,
    }
    %scan3A_257 = arith.constant 40 : i32
    %get3A_258 = arith.constant 0 : index
    %get3A_259 = arith.constant 0 : index
    %get3A_260 = vector.load %arg33[%get3A_258, %get3A_259] : memref<640x64xf32, #tpu.memory_space<vmem>>, vector<640x64xf32>
    %get3A_261 = arith.constant 0 : index
    %get3A_262 = arith.constant 0 : index
    %get3A_263 = vector.load %arg14[%get3A_261, %get3A_262] : memref<64x64xf32, #tpu.memory_space<vmem>>, vector<64x64xf32>
    %dot_general3A_264 = arith.constant dense<0.000000e+00> : vector<640x64xf32>
    %dot_general3A_265 = tpu.matmul %get3A_260, %get3A_263, %dot_general3A_264 {dimension_numbers = #tpu.dot_dimension_numbers<[1], [0], [0], [1], [0, 0, 1, 1], [], []>, transpose_lhs_hint = false} : vector<640x64xf32>, vector<64x64xf32>, vector<640x64xf32> -> vector<640x64xf32>
    %add3A_266 = arith.addf %add3A_211, %dot_general3A_265 : vector<640x64xf32>
    %get3A_267 = arith.constant 0 : index
    %get3A_268 = arith.constant 0 : index
    %get3A_269 = vector.load %arg15[%get3A_267, %get3A_268] : memref<1x64xf32, #tpu.memory_space<vmem>>, vector<1x64xf32>
    %get3A_270 = arith.constant 0 : index
    %get3A_271 = arith.constant 0 : index
    %get3A_272 = vector.load %arg16[%get3A_270, %get3A_271] : memref<1x64xf32, #tpu.memory_space<vmem>>, vector<1x64xf32>
    %reduce_sum3A_273 = arith.constant dense<0.000000e+00> : vector<64xf32>
    %reduce_sum3A_274 = vector.multi_reduction <add>, %add3A_266, %reduce_sum3A_273 [0] : vector<640x64xf32> to vector<64xf32>
    %broadcast_in_dim3A_275 = vector.shape_cast %reduce_sum3A_274 : vector<64xf32> to vector<1x64xf32>
    %div3A_276 = arith.constant 6.400000e+02 : f32
    %div3A_277 = vector.broadcast %div3A_276 : f32 to vector<1x64xf32>
    %div3A_278 = arith.divf %broadcast_in_dim3A_275, %div3A_277 : vector<1x64xf32>
    %sub3A_279 = vector.broadcast %div3A_278 : vector<1x64xf32> to vector<640x64xf32>
    %sub3A_280 = arith.subf %add3A_266, %sub3A_279 : vector<640x64xf32>
    %square3A_281 = arith.mulf %sub3A_280, %sub3A_280 : vector<640x64xf32>
    %reduce_sum3A_282 = arith.constant dense<0.000000e+00> : vector<64xf32>
    %reduce_sum3A_283 = vector.multi_reduction <add>, %square3A_281, %reduce_sum3A_282 [0] : vector<640x64xf32> to vector<64xf32>
    %broadcast_in_dim3A_284 = vector.shape_cast %reduce_sum3A_283 : vector<64xf32> to vector<1x64xf32>
    %div3A_285 = arith.constant 6.400000e+02 : f32
    %div3A_286 = vector.broadcast %div3A_285 : f32 to vector<1x64xf32>
    %div3A_287 = arith.divf %broadcast_in_dim3A_284, %div3A_286 : vector<1x64xf32>
    %sub3A_288 = vector.broadcast %div3A_278 : vector<1x64xf32> to vector<640x64xf32>
    %sub3A_289 = arith.subf %add3A_266, %sub3A_288 : vector<640x64xf32>
    %add3A_290 = arith.constant 9.99999974E-6 : f32
    %add3A_291 = vector.broadcast %add3A_290 : f32 to vector<1x64xf32>
    %add3A_292 = arith.addf %div3A_287, %add3A_291 : vector<1x64xf32>
    %sqrt3A_293 = math.sqrt %add3A_292 : vector<1x64xf32>
    %div3A_294 = vector.broadcast %sqrt3A_293 : vector<1x64xf32> to vector<640x64xf32>
    %div3A_295 = arith.divf %sub3A_289, %div3A_294 : vector<640x64xf32>
    %mul3A_296 = vector.broadcast %get3A_269 : vector<1x64xf32> to vector<640x64xf32>
    %mul3A_297 = arith.mulf %div3A_295, %mul3A_296 : vector<640x64xf32>
    %add3A_298 = vector.broadcast %get3A_272 : vector<1x64xf32> to vector<640x64xf32>
    %add3A_299 = arith.addf %mul3A_297, %add3A_298 : vector<640x64xf32>
    %get3A_300 = arith.constant 0 : index
    %get3A_301 = arith.constant 0 : index
    %get3A_302 = vector.load %arg17[%get3A_300, %get3A_301] : memref<64x256xf32, #tpu.memory_space<vmem>>, vector<64x256xf32>
    %dot_general3A_303 = arith.constant dense<0.000000e+00> : vector<640x256xf32>
    %dot_general3A_304 = tpu.matmul %add3A_299, %get3A_302, %dot_general3A_303 {dimension_numbers = #tpu.dot_dimension_numbers<[1], [0], [0], [1], [0, 0, 1, 1], [], []>, transpose_lhs_hint = false} : vector<640x64xf32>, vector<64x256xf32>, vector<640x256xf32> -> vector<640x256xf32>
    %get3A_305 = arith.constant 0 : index
    %get3A_306 = arith.constant 0 : index
    %get3A_307 = vector.load %arg18[%get3A_305, %get3A_306] : memref<1x256xf32, #tpu.memory_space<vmem>>, vector<1x256xf32>
    %add3A_308 = vector.broadcast %get3A_307 : vector<1x256xf32> to vector<640x256xf32>
    %add3A_309 = arith.addf %dot_general3A_304, %add3A_308 : vector<640x256xf32>
    %div3A_310 = arith.constant 2.000000e+00 : f32
    %div3A_311 = vector.broadcast %div3A_310 : f32 to vector<640x256xf32>
    %div3A_312 = arith.divf %add3A_309, %div3A_311 : vector<640x256xf32>
    %sub3A_313 = arith.constant 1.000000e+00 : f32
    %sub3A_314 = vector.broadcast %sub3A_313 : f32 to vector<640x256xf32>
    %sub3A_315 = arith.subf %div3A_312, %sub3A_314 : vector<640x256xf32>
    %ge3A_316 = arith.constant 0.000000e+00 : f32
    %ge3A_317 = vector.broadcast %ge3A_316 : f32 to vector<640x256xf32>
    %ge3A_318 = arith.cmpf oge, %sub3A_315, %ge3A_317 : vector<640x256xf32>
    %jit3A_319 = arith.constant 1.000000e+00 : f32
    %jit3A_320 = arith.constant 0.000000e+00 : f32
    %broadcast_in_dim3A_321 = vector.broadcast %jit3A_319 : f32 to vector<640x256xf32>
    %broadcast_in_dim3A_322 = vector.broadcast %jit3A_320 : f32 to vector<640x256xf32>
    %select_n3A_323 = arith.select %ge3A_318, %broadcast_in_dim3A_321, %broadcast_in_dim3A_322 : vector<640x256xi1>, vector<640x256xf32>
    %get3A_324 = arith.constant 0 : index
    %get3A_325 = arith.constant 0 : index
    %get3A_326 = vector.load %arg19[%get3A_324, %get3A_325] : memref<256x64xf32, #tpu.memory_space<vmem>>, vector<256x64xf32>
    %dot_general3A_327 = arith.constant dense<0.000000e+00> : vector<640x64xf32>
    %dot_general3A_328 = tpu.matmul %select_n3A_323, %get3A_326, %dot_general3A_327 {dimension_numbers = #tpu.dot_dimension_numbers<[1], [0], [0], [1], [0, 0, 1, 1], [], []>, transpose_lhs_hint = false} : vector<640x256xf32>, vector<256x64xf32>, vector<640x64xf32> -> vector<640x64xf32>
    %get3A_329 = arith.constant 0 : index
    %get3A_330 = arith.constant 0 : index
    %get3A_331 = vector.load %arg20[%get3A_329, %get3A_330] : memref<1x64xf32, #tpu.memory_space<vmem>>, vector<1x64xf32>
    %add3A_332 = vector.broadcast %get3A_331 : vector<1x64xf32> to vector<640x64xf32>
    %add3A_333 = arith.addf %dot_general3A_328, %add3A_332 : vector<640x64xf32>
    %div3A_334 = arith.constant 2.000000e+00 : f32
    %div3A_335 = vector.broadcast %div3A_334 : f32 to vector<640x64xf32>
    %div3A_336 = arith.divf %add3A_333, %div3A_335 : vector<640x64xf32>
    %sub3A_337 = arith.constant 1.000000e+00 : f32
    %sub3A_338 = vector.broadcast %sub3A_337 : f32 to vector<640x64xf32>
    %sub3A_339 = arith.subf %div3A_336, %sub3A_338 : vector<640x64xf32>
    %ge3A_340 = arith.constant 0.000000e+00 : f32
    %ge3A_341 = vector.broadcast %ge3A_340 : f32 to vector<640x64xf32>
    %ge3A_342 = arith.cmpf oge, %sub3A_339, %ge3A_341 : vector<640x64xf32>
    %jit3A_343 = arith.constant 1.000000e+00 : f32
    %jit3A_344 = arith.constant 0.000000e+00 : f32
    %broadcast_in_dim3A_345 = vector.broadcast %jit3A_343 : f32 to vector<640x64xf32>
    %broadcast_in_dim3A_346 = vector.broadcast %jit3A_344 : f32 to vector<640x64xf32>
    %select_n3A_347 = arith.select %ge3A_342, %broadcast_in_dim3A_345, %broadcast_in_dim3A_346 : vector<640x64xi1>, vector<640x64xf32>
    %add3A_348 = arith.addf %add3A_266, %select_n3A_347 : vector<640x64xf32>
    %get3A_349 = arith.constant 0 : index
    %get3A_350 = arith.constant 0 : index
    %get3A_351 = vector.load %arg21[%get3A_349, %get3A_350] : memref<1x64xf32, #tpu.memory_space<vmem>>, vector<1x64xf32>
    %get3A_352 = arith.constant 0 : index
    %get3A_353 = arith.constant 0 : index
    %get3A_354 = vector.load %arg22[%get3A_352, %get3A_353] : memref<1x64xf32, #tpu.memory_space<vmem>>, vector<1x64xf32>
    %reduce_sum3A_355 = arith.constant dense<0.000000e+00> : vector<64xf32>
    %reduce_sum3A_356 = vector.multi_reduction <add>, %add3A_348, %reduce_sum3A_355 [0] : vector<640x64xf32> to vector<64xf32>
    %broadcast_in_dim3A_357 = vector.shape_cast %reduce_sum3A_356 : vector<64xf32> to vector<1x64xf32>
    %div3A_358 = arith.constant 6.400000e+02 : f32
    %div3A_359 = vector.broadcast %div3A_358 : f32 to vector<1x64xf32>
    %div3A_360 = arith.divf %broadcast_in_dim3A_357, %div3A_359 : vector<1x64xf32>
    %sub3A_361 = vector.broadcast %div3A_360 : vector<1x64xf32> to vector<640x64xf32>
    %sub3A_362 = arith.subf %add3A_348, %sub3A_361 : vector<640x64xf32>
    %square3A_363 = arith.mulf %sub3A_362, %sub3A_362 : vector<640x64xf32>
    %reduce_sum3A_364 = arith.constant dense<0.000000e+00> : vector<64xf32>
    %reduce_sum3A_365 = vector.multi_reduction <add>, %square3A_363, %reduce_sum3A_364 [0] : vector<640x64xf32> to vector<64xf32>
    %broadcast_in_dim3A_366 = vector.shape_cast %reduce_sum3A_365 : vector<64xf32> to vector<1x64xf32>
    %div3A_367 = arith.constant 6.400000e+02 : f32
    %div3A_368 = vector.broadcast %div3A_367 : f32 to vector<1x64xf32>
    %div3A_369 = arith.divf %broadcast_in_dim3A_366, %div3A_368 : vector<1x64xf32>
    %sub3A_370 = vector.broadcast %div3A_360 : vector<1x64xf32> to vector<640x64xf32>
    %sub3A_371 = arith.subf %add3A_348, %sub3A_370 : vector<640x64xf32>
    %add3A_372 = arith.constant 9.99999974E-6 : f32
    %add3A_373 = vector.broadcast %add3A_372 : f32 to vector<1x64xf32>
    %add3A_374 = arith.addf %div3A_369, %add3A_373 : vector<1x64xf32>
    %sqrt3A_375 = math.sqrt %add3A_374 : vector<1x64xf32>
    %div3A_376 = vector.broadcast %sqrt3A_375 : vector<1x64xf32> to vector<640x64xf32>
    %div3A_377 = arith.divf %sub3A_371, %div3A_376 : vector<640x64xf32>
    %mul3A_378 = vector.broadcast %get3A_351 : vector<1x64xf32> to vector<640x64xf32>
    %mul3A_379 = arith.mulf %div3A_377, %mul3A_378 : vector<640x64xf32>
    %add3A_380 = vector.broadcast %get3A_354 : vector<1x64xf32> to vector<640x64xf32>
    %add3A_381 = arith.addf %mul3A_379, %add3A_380 : vector<640x64xf32>
    %get3A_382 = arith.constant 0 : index
    %get3A_383 = arith.constant 0 : index
    %get3A_384 = vector.load %arg23[%get3A_382, %get3A_383] : memref<64x192xf32, #tpu.memory_space<vmem>>, vector<64x192xf32>
    %dot_general3A_385 = arith.constant dense<0.000000e+00> : vector<640x192xf32>
    %dot_general3A_386 = tpu.matmul %add3A_381, %get3A_384, %dot_general3A_385 {dimension_numbers = #tpu.dot_dimension_numbers<[1], [0], [0], [1], [0, 0, 1, 1], [], []>, transpose_lhs_hint = false} : vector<640x64xf32>, vector<64x192xf32>, vector<640x192xf32> -> vector<640x192xf32>
    %swap3A_387 = arith.constant 0 : index
    %swap3A_388 = arith.constant 0 : index
    %swap3A_389 = vector.load %arg32[%swap3A_387, %swap3A_388] : memref<640x192xf32, #tpu.memory_space<vmem>>, vector<640x192xf32>
    tpu.vector_store %arg32[%swap3A_387, %swap3A_388], %dot_general3A_386 {strides = array<i32>} : memref<640x192xf32, #tpu.memory_space<vmem>>, vector<640x192xf32>,
    %scan3A_390 = arith.constant 0 : i32
    %scan3A_391 = arith.constant 40 : i32
    %scan3A_392 = arith.addi %scan3A_390, %scan3A_391 : i32
    %scan3A_393 = arith.constant 1 : i32
    scf.for %scan3A_489 = %scan3A_390 to %scan3A_392 step %scan3A_393  : i32 {
      %mul3A_490 = arith.constant 16 : i32
      %mul3A_491 = arith.muli %scan3A_489, %mul3A_490 : i32
      %get3A_492 = arith.index_cast %mul3A_491 : i32 to index
      %get3A_493 = arith.constant 0 : index
      %get3A_494 = vector.load %arg32[%get3A_492, %get3A_493] : memref<640x192xf32, #tpu.memory_space<vmem>>, vector<16x64xf32>
      %get3A_495 = arith.index_cast %mul3A_491 : i32 to index
      %get3A_496 = arith.constant 64 : index
      %get3A_497 = vector.load %arg32[%get3A_495, %get3A_496] : memref<640x192xf32, #tpu.memory_space<vmem>>, vector<16x64xf32>
      %get3A_498 = arith.index_cast %mul3A_491 : i32 to index
      %get3A_499 = arith.constant 128 : index
      %get3A_500 = vector.load %arg32[%get3A_498, %get3A_499] : memref<640x192xf32, #tpu.memory_space<vmem>>, vector<16x64xf32>
      %dot_general3A_501 = arith.constant dense<0.000000e+00> : vector<8x64xf32>
      %dot_general3A_502 = tpu.matmul %select_n3A_42, %get3A_494, %dot_general3A_501 {dimension_numbers = #tpu.dot_dimension_numbers<[1], [0], [0], [1], [0, 0, 1, 1], [], []>, transpose_lhs_hint = false} : vector<8x16xf32>, vector<16x64xf32>, vector<8x64xf32> -> vector<8x64xf32>
      %dot_general3A_503 = arith.constant dense<0.000000e+00> : vector<8x64xf32>
      %dot_general3A_504 = tpu.matmul %select_n3A_42, %get3A_497, %dot_general3A_503 {dimension_numbers = #tpu.dot_dimension_numbers<[1], [0], [0], [1], [0, 0, 1, 1], [], []>, transpose_lhs_hint = false} : vector<8x16xf32>, vector<16x64xf32>, vector<8x64xf32> -> vector<8x64xf32>
      %dot_general3A_505 = arith.constant dense<0.000000e+00> : vector<8x8xf32>
      %dot_general3A_506 = tpu.matmul %dot_general3A_502, %dot_general3A_504, %dot_general3A_505 {dimension_numbers = #tpu.dot_dimension_numbers<[1], [1], [0], [0], [0, 0, 1, 0], [], []>, transpose_lhs_hint = false} : vector<8x64xf32>, vector<8x64xf32>, vector<8x8xf32> -> vector<8x8xf32>
      %broadcast_in_dim3A_507 = arith.constant 0.000000e+00 : f32
      %broadcast_in_dim3A_508 = vector.broadcast %broadcast_in_dim3A_507 : f32 to vector<8x8xf32>
      %slice3A = vector.extract_strided_slice %dot_general3A_506 {offsets = [0, 0], sizes = [8, 1], strides = [1, 1]} : vector<8x8xf32> to vector<8x1xf32>
      %gt3A = vector.broadcast %slice3A : vector<8x1xf32> to vector<8x8xf32>
      %gt3A_509 = arith.cmpf ogt, %gt3A, %dot_general3A_506 : vector<8x8xf32>
      %jit3A_510 = arith.constant 1.000000e+00 : f32
      %jit3A_511 = arith.constant 0.000000e+00 : f32
      %broadcast_in_dim3A_512 = vector.broadcast %jit3A_510 : f32 to vector<8x8xf32>
      %broadcast_in_dim3A_513 = vector.broadcast %jit3A_511 : f32 to vector<8x8xf32>
      %select_n3A_514 = arith.select %gt3A_509, %broadcast_in_dim3A_512, %broadcast_in_dim3A_513 : vector<8x8xi1>, vector<8x8xf32>
      %eq3A_515 = vector.broadcast %slice3A : vector<8x1xf32> to vector<8x8xf32>
      %eq3A_516 = arith.cmpf oeq, %eq3A_515, %dot_general3A_506 : vector<8x8xf32>
      %gt3A_517 = arith.constant 0 : i32
      %gt3A_518 = vector.broadcast %gt3A_517 : i32 to vector<8x8xi32>
      %gt3A_519 = arith.cmpi sgt, %iota3A_82, %gt3A_518 : vector<8x8xi32>
      %and3A_520 = arith.andi %eq3A_516, %gt3A_519 : vector<8x8xi1>
      %jit3A_521 = arith.constant 1.000000e+00 : f32
      %jit3A_522 = arith.constant 0.000000e+00 : f32
      %broadcast_in_dim3A_523 = vector.broadcast %jit3A_521 : f32 to vector<8x8xf32>
      %broadcast_in_dim3A_524 = vector.broadcast %jit3A_522 : f32 to vector<8x8xf32>
      %select_n3A_525 = arith.select %and3A_520, %broadcast_in_dim3A_523, %broadcast_in_dim3A_524 : vector<8x8xi1>, vector<8x8xf32>
      %add3A_526 = arith.addf %broadcast_in_dim3A_508, %select_n3A_514 : vector<8x8xf32>
      %add3A_527 = arith.addf %add3A_526, %select_n3A_525 : vector<8x8xf32>
      %slice3A_528 = vector.extract_strided_slice %dot_general3A_506 {offsets = [0, 1], sizes = [8, 1], strides = [1, 1]} : vector<8x8xf32> to vector<8x1xf32>
      %gt3A_529 = vector.broadcast %slice3A_528 : vector<8x1xf32> to vector<8x8xf32>
      %gt3A_530 = arith.cmpf ogt, %gt3A_529, %dot_general3A_506 : vector<8x8xf32>
      %jit3A_531 = arith.constant 1.000000e+00 : f32
      %jit3A_532 = arith.constant 0.000000e+00 : f32
      %broadcast_in_dim3A_533 = vector.broadcast %jit3A_531 : f32 to vector<8x8xf32>
      %broadcast_in_dim3A_534 = vector.broadcast %jit3A_532 : f32 to vector<8x8xf32>
      %select_n3A_535 = arith.select %gt3A_530, %broadcast_in_dim3A_533, %broadcast_in_dim3A_534 : vector<8x8xi1>, vector<8x8xf32>
      %eq3A_536 = vector.broadcast %slice3A_528 : vector<8x1xf32> to vector<8x8xf32>
      %eq3A_537 = arith.cmpf oeq, %eq3A_536, %dot_general3A_506 : vector<8x8xf32>
      %gt3A_538 = arith.constant 1 : i32
      %gt3A_539 = vector.broadcast %gt3A_538 : i32 to vector<8x8xi32>
      %gt3A_540 = arith.cmpi sgt, %iota3A_82, %gt3A_539 : vector<8x8xi32>
      %and3A_541 = arith.andi %eq3A_537, %gt3A_540 : vector<8x8xi1>
      %jit3A_542 = arith.constant 1.000000e+00 : f32
      %jit3A_543 = arith.constant 0.000000e+00 : f32
      %broadcast_in_dim3A_544 = vector.broadcast %jit3A_542 : f32 to vector<8x8xf32>
      %broadcast_in_dim3A_545 = vector.broadcast %jit3A_543 : f32 to vector<8x8xf32>
      %select_n3A_546 = arith.select %and3A_541, %broadcast_in_dim3A_544, %broadcast_in_dim3A_545 : vector<8x8xi1>, vector<8x8xf32>
      %add3A_547 = arith.addf %add3A_527, %select_n3A_535 : vector<8x8xf32>
      %add3A_548 = arith.addf %add3A_547, %select_n3A_546 : vector<8x8xf32>
      %slice3A_549 = vector.extract_strided_slice %dot_general3A_506 {offsets = [0, 2], sizes = [8, 1], strides = [1, 1]} : vector<8x8xf32> to vector<8x1xf32>
      %gt3A_550 = vector.broadcast %slice3A_549 : vector<8x1xf32> to vector<8x8xf32>
      %gt3A_551 = arith.cmpf ogt, %gt3A_550, %dot_general3A_506 : vector<8x8xf32>
      %jit3A_552 = arith.constant 1.000000e+00 : f32
      %jit3A_553 = arith.constant 0.000000e+00 : f32
      %broadcast_in_dim3A_554 = vector.broadcast %jit3A_552 : f32 to vector<8x8xf32>
      %broadcast_in_dim3A_555 = vector.broadcast %jit3A_553 : f32 to vector<8x8xf32>
      %select_n3A_556 = arith.select %gt3A_551, %broadcast_in_dim3A_554, %broadcast_in_dim3A_555 : vector<8x8xi1>, vector<8x8xf32>
      %eq3A_557 = vector.broadcast %slice3A_549 : vector<8x1xf32> to vector<8x8xf32>
      %eq3A_558 = arith.cmpf oeq, %eq3A_557, %dot_general3A_506 : vector<8x8xf32>
      %gt3A_559 = arith.constant 2 : i32
      %gt3A_560 = vector.broadcast %gt3A_559 : i32 to vector<8x8xi32>
      %gt3A_561 = arith.cmpi sgt, %iota3A_82, %gt3A_560 : vector<8x8xi32>
      %and3A_562 = arith.andi %eq3A_558, %gt3A_561 : vector<8x8xi1>
      %jit3A_563 = arith.constant 1.000000e+00 : f32
      %jit3A_564 = arith.constant 0.000000e+00 : f32
      %broadcast_in_dim3A_565 = vector.broadcast %jit3A_563 : f32 to vector<8x8xf32>
      %broadcast_in_dim3A_566 = vector.broadcast %jit3A_564 : f32 to vector<8x8xf32>
      %select_n3A_567 = arith.select %and3A_562, %broadcast_in_dim3A_565, %broadcast_in_dim3A_566 : vector<8x8xi1>, vector<8x8xf32>
      %add3A_568 = arith.addf %add3A_548, %select_n3A_556 : vector<8x8xf32>
      %add3A_569 = arith.addf %add3A_568, %select_n3A_567 : vector<8x8xf32>
      %slice3A_570 = vector.extract_strided_slice %dot_general3A_506 {offsets = [0, 3], sizes = [8, 1], strides = [1, 1]} : vector<8x8xf32> to vector<8x1xf32>
      %gt3A_571 = vector.broadcast %slice3A_570 : vector<8x1xf32> to vector<8x8xf32>
      %gt3A_572 = arith.cmpf ogt, %gt3A_571, %dot_general3A_506 : vector<8x8xf32>
      %jit3A_573 = arith.constant 1.000000e+00 : f32
      %jit3A_574 = arith.constant 0.000000e+00 : f32
      %broadcast_in_dim3A_575 = vector.broadcast %jit3A_573 : f32 to vector<8x8xf32>
      %broadcast_in_dim3A_576 = vector.broadcast %jit3A_574 : f32 to vector<8x8xf32>
      %select_n3A_577 = arith.select %gt3A_572, %broadcast_in_dim3A_575, %broadcast_in_dim3A_576 : vector<8x8xi1>, vector<8x8xf32>
      %eq3A_578 = vector.broadcast %slice3A_570 : vector<8x1xf32> to vector<8x8xf32>
      %eq3A_579 = arith.cmpf oeq, %eq3A_578, %dot_general3A_506 : vector<8x8xf32>
      %gt3A_580 = arith.constant 3 : i32
      %gt3A_581 = vector.broadcast %gt3A_580 : i32 to vector<8x8xi32>
      %gt3A_582 = arith.cmpi sgt, %iota3A_82, %gt3A_581 : vector<8x8xi32>
      %and3A_583 = arith.andi %eq3A_579, %gt3A_582 : vector<8x8xi1>
      %jit3A_584 = arith.constant 1.000000e+00 : f32
      %jit3A_585 = arith.constant 0.000000e+00 : f32
      %broadcast_in_dim3A_586 = vector.broadcast %jit3A_584 : f32 to vector<8x8xf32>
      %broadcast_in_dim3A_587 = vector.broadcast %jit3A_585 : f32 to vector<8x8xf32>
      %select_n3A_588 = arith.select %and3A_583, %broadcast_in_dim3A_586, %broadcast_in_dim3A_587 : vector<8x8xi1>, vector<8x8xf32>
      %add3A_589 = arith.addf %add3A_569, %select_n3A_577 : vector<8x8xf32>
      %add3A_590 = arith.addf %add3A_589, %select_n3A_588 : vector<8x8xf32>
      %slice3A_591 = vector.extract_strided_slice %dot_general3A_506 {offsets = [0, 4], sizes = [8, 1], strides = [1, 1]} : vector<8x8xf32> to vector<8x1xf32>
      %gt3A_592 = vector.broadcast %slice3A_591 : vector<8x1xf32> to vector<8x8xf32>
      %gt3A_593 = arith.cmpf ogt, %gt3A_592, %dot_general3A_506 : vector<8x8xf32>
      %jit3A_594 = arith.constant 1.000000e+00 : f32
      %jit3A_595 = arith.constant 0.000000e+00 : f32
      %broadcast_in_dim3A_596 = vector.broadcast %jit3A_594 : f32 to vector<8x8xf32>
      %broadcast_in_dim3A_597 = vector.broadcast %jit3A_595 : f32 to vector<8x8xf32>
      %select_n3A_598 = arith.select %gt3A_593, %broadcast_in_dim3A_596, %broadcast_in_dim3A_597 : vector<8x8xi1>, vector<8x8xf32>
      %eq3A_599 = vector.broadcast %slice3A_591 : vector<8x1xf32> to vector<8x8xf32>
      %eq3A_600 = arith.cmpf oeq, %eq3A_599, %dot_general3A_506 : vector<8x8xf32>
      %gt3A_601 = arith.constant 4 : i32
      %gt3A_602 = vector.broadcast %gt3A_601 : i32 to vector<8x8xi32>
      %gt3A_603 = arith.cmpi sgt, %iota3A_82, %gt3A_602 : vector<8x8xi32>
      %and3A_604 = arith.andi %eq3A_600, %gt3A_603 : vector<8x8xi1>
      %jit3A_605 = arith.constant 1.000000e+00 : f32
      %jit3A_606 = arith.constant 0.000000e+00 : f32
      %broadcast_in_dim3A_607 = vector.broadcast %jit3A_605 : f32 to vector<8x8xf32>
      %broadcast_in_dim3A_608 = vector.broadcast %jit3A_606 : f32 to vector<8x8xf32>
      %select_n3A_609 = arith.select %and3A_604, %broadcast_in_dim3A_607, %broadcast_in_dim3A_608 : vector<8x8xi1>, vector<8x8xf32>
      %add3A_610 = arith.addf %add3A_590, %select_n3A_598 : vector<8x8xf32>
      %add3A_611 = arith.addf %add3A_610, %select_n3A_609 : vector<8x8xf32>
      %slice3A_612 = vector.extract_strided_slice %dot_general3A_506 {offsets = [0, 5], sizes = [8, 1], strides = [1, 1]} : vector<8x8xf32> to vector<8x1xf32>
      %gt3A_613 = vector.broadcast %slice3A_612 : vector<8x1xf32> to vector<8x8xf32>
      %gt3A_614 = arith.cmpf ogt, %gt3A_613, %dot_general3A_506 : vector<8x8xf32>
      %jit3A_615 = arith.constant 1.000000e+00 : f32
      %jit3A_616 = arith.constant 0.000000e+00 : f32
      %broadcast_in_dim3A_617 = vector.broadcast %jit3A_615 : f32 to vector<8x8xf32>
      %broadcast_in_dim3A_618 = vector.broadcast %jit3A_616 : f32 to vector<8x8xf32>
      %select_n3A_619 = arith.select %gt3A_614, %broadcast_in_dim3A_617, %broadcast_in_dim3A_618 : vector<8x8xi1>, vector<8x8xf32>
      %eq3A_620 = vector.broadcast %slice3A_612 : vector<8x1xf32> to vector<8x8xf32>
      %eq3A_621 = arith.cmpf oeq, %eq3A_620, %dot_general3A_506 : vector<8x8xf32>
      %gt3A_622 = arith.constant 5 : i32
      %gt3A_623 = vector.broadcast %gt3A_622 : i32 to vector<8x8xi32>
      %gt3A_624 = arith.cmpi sgt, %iota3A_82, %gt3A_623 : vector<8x8xi32>
      %and3A_625 = arith.andi %eq3A_621, %gt3A_624 : vector<8x8xi1>
      %jit3A_626 = arith.constant 1.000000e+00 : f32
      %jit3A_627 = arith.constant 0.000000e+00 : f32
      %broadcast_in_dim3A_628 = vector.broadcast %jit3A_626 : f32 to vector<8x8xf32>
      %broadcast_in_dim3A_629 = vector.broadcast %jit3A_627 : f32 to vector<8x8xf32>
      %select_n3A_630 = arith.select %and3A_625, %broadcast_in_dim3A_628, %broadcast_in_dim3A_629 : vector<8x8xi1>, vector<8x8xf32>
      %add3A_631 = arith.addf %add3A_611, %select_n3A_619 : vector<8x8xf32>
      %add3A_632 = arith.addf %add3A_631, %select_n3A_630 : vector<8x8xf32>
      %slice3A_633 = vector.extract_strided_slice %dot_general3A_506 {offsets = [0, 6], sizes = [8, 1], strides = [1, 1]} : vector<8x8xf32> to vector<8x1xf32>
      %gt3A_634 = vector.broadcast %slice3A_633 : vector<8x1xf32> to vector<8x8xf32>
      %gt3A_635 = arith.cmpf ogt, %gt3A_634, %dot_general3A_506 : vector<8x8xf32>
      %jit3A_636 = arith.constant 1.000000e+00 : f32
      %jit3A_637 = arith.constant 0.000000e+00 : f32
      %broadcast_in_dim3A_638 = vector.broadcast %jit3A_636 : f32 to vector<8x8xf32>
      %broadcast_in_dim3A_639 = vector.broadcast %jit3A_637 : f32 to vector<8x8xf32>
      %select_n3A_640 = arith.select %gt3A_635, %broadcast_in_dim3A_638, %broadcast_in_dim3A_639 : vector<8x8xi1>, vector<8x8xf32>
      %eq3A_641 = vector.broadcast %slice3A_633 : vector<8x1xf32> to vector<8x8xf32>
      %eq3A_642 = arith.cmpf oeq, %eq3A_641, %dot_general3A_506 : vector<8x8xf32>
      %gt3A_643 = arith.constant 6 : i32
      %gt3A_644 = vector.broadcast %gt3A_643 : i32 to vector<8x8xi32>
      %gt3A_645 = arith.cmpi sgt, %iota3A_82, %gt3A_644 : vector<8x8xi32>
      %and3A_646 = arith.andi %eq3A_642, %gt3A_645 : vector<8x8xi1>
      %jit3A_647 = arith.constant 1.000000e+00 : f32
      %jit3A_648 = arith.constant 0.000000e+00 : f32
      %broadcast_in_dim3A_649 = vector.broadcast %jit3A_647 : f32 to vector<8x8xf32>
      %broadcast_in_dim3A_650 = vector.broadcast %jit3A_648 : f32 to vector<8x8xf32>
      %select_n3A_651 = arith.select %and3A_646, %broadcast_in_dim3A_649, %broadcast_in_dim3A_650 : vector<8x8xi1>, vector<8x8xf32>
      %add3A_652 = arith.addf %add3A_632, %select_n3A_640 : vector<8x8xf32>
      %add3A_653 = arith.addf %add3A_652, %select_n3A_651 : vector<8x8xf32>
      %slice3A_654 = vector.extract_strided_slice %dot_general3A_506 {offsets = [0, 7], sizes = [8, 1], strides = [1, 1]} : vector<8x8xf32> to vector<8x1xf32>
      %gt3A_655 = vector.broadcast %slice3A_654 : vector<8x1xf32> to vector<8x8xf32>
      %gt3A_656 = arith.cmpf ogt, %gt3A_655, %dot_general3A_506 : vector<8x8xf32>
      %jit3A_657 = arith.constant 1.000000e+00 : f32
      %jit3A_658 = arith.constant 0.000000e+00 : f32
      %broadcast_in_dim3A_659 = vector.broadcast %jit3A_657 : f32 to vector<8x8xf32>
      %broadcast_in_dim3A_660 = vector.broadcast %jit3A_658 : f32 to vector<8x8xf32>
      %select_n3A_661 = arith.select %gt3A_656, %broadcast_in_dim3A_659, %broadcast_in_dim3A_660 : vector<8x8xi1>, vector<8x8xf32>
      %eq3A_662 = vector.broadcast %slice3A_654 : vector<8x1xf32> to vector<8x8xf32>
      %eq3A_663 = arith.cmpf oeq, %eq3A_662, %dot_general3A_506 : vector<8x8xf32>
      %gt3A_664 = arith.constant 7 : i32
      %gt3A_665 = vector.broadcast %gt3A_664 : i32 to vector<8x8xi32>
      %gt3A_666 = arith.cmpi sgt, %iota3A_82, %gt3A_665 : vector<8x8xi32>
      %and3A_667 = arith.andi %eq3A_663, %gt3A_666 : vector<8x8xi1>
      %jit3A_668 = arith.constant 1.000000e+00 : f32
      %jit3A_669 = arith.constant 0.000000e+00 : f32
      %broadcast_in_dim3A_670 = vector.broadcast %jit3A_668 : f32 to vector<8x8xf32>
      %broadcast_in_dim3A_671 = vector.broadcast %jit3A_669 : f32 to vector<8x8xf32>
      %select_n3A_672 = arith.select %and3A_667, %broadcast_in_dim3A_670, %broadcast_in_dim3A_671 : vector<8x8xi1>, vector<8x8xf32>
      %add3A_673 = arith.addf %add3A_653, %select_n3A_661 : vector<8x8xf32>
      %add3A_674 = arith.addf %add3A_673, %select_n3A_672 : vector<8x8xf32>
      %lt3A = arith.constant 4.000000e+00 : f32
      %lt3A_675 = vector.broadcast %lt3A : f32 to vector<8x8xf32>
      %lt3A_676 = arith.cmpf olt, %add3A_674, %lt3A_675 : vector<8x8xf32>
      %jit3A_677 = arith.constant 1.000000e+00 : f32
      %jit3A_678 = arith.constant 0.000000e+00 : f32
      %broadcast_in_dim3A_679 = vector.broadcast %jit3A_677 : f32 to vector<8x8xf32>
      %broadcast_in_dim3A_680 = vector.broadcast %jit3A_678 : f32 to vector<8x8xf32>
      %select_n3A_681 = arith.select %lt3A_676, %broadcast_in_dim3A_679, %broadcast_in_dim3A_680 : vector<8x8xi1>, vector<8x8xf32>
      %dot_general3A_682 = arith.constant dense<0.000000e+00> : vector<16x8xf32>
      %dot_general3A_683 = tpu.matmul %select_n3A_81, %select_n3A_681, %dot_general3A_682 {dimension_numbers = #tpu.dot_dimension_numbers<[1], [0], [0], [1], [0, 0, 1, 1], [], []>, transpose_lhs_hint = false} : vector<16x8xf32>, vector<8x8xf32>, vector<16x8xf32> -> vector<16x8xf32>
      %dot_general3A_684 = arith.constant dense<0.000000e+00> : vector<16x16xf32>
      %dot_general3A_685 = tpu.matmul %dot_general3A_683, %select_n3A_81, %dot_general3A_684 {dimension_numbers = #tpu.dot_dimension_numbers<[1], [1], [0], [0], [0, 0, 1, 0], [], []>, transpose_lhs_hint = false} : vector<16x8xf32>, vector<16x8xf32>, vector<16x16xf32> -> vector<16x16xf32>
      %sub3A_686 = arith.constant 1.000000e+00 : f32
      %sub3A_687 = vector.broadcast %sub3A_686 : f32 to vector<16x16xf32>
      %sub3A_688 = arith.subf %dot_general3A_685, %sub3A_687 : vector<16x16xf32>
      %mul3A_689 = arith.constant 1.000000e+30 : f32
      %mul3A_690 = vector.broadcast %mul3A_689 : f32 to vector<16x16xf32>
      %mul3A_691 = arith.mulf %sub3A_688, %mul3A_690 : vector<16x16xf32>
      %slice3A_692 = vector.extract_strided_slice %get3A_494 {offsets = [0, 0], sizes = [16, 16], strides = [1, 1]} : vector<16x64xf32> to vector<16x16xf32>
      %slice3A_693 = vector.extract_strided_slice %get3A_497 {offsets = [0, 0], sizes = [16, 16], strides = [1, 1]} : vector<16x64xf32> to vector<16x16xf32>
      %slice3A_694 = vector.extract_strided_slice %get3A_500 {offsets = [0, 0], sizes = [16, 16], strides = [1, 1]} : vector<16x64xf32> to vector<16x16xf32>
      %dot_general3A_695 = arith.constant dense<0.000000e+00> : vector<16x16xf32>
      %dot_general3A_696 = tpu.matmul %slice3A_692, %slice3A_693, %dot_general3A_695 {dimension_numbers = #tpu.dot_dimension_numbers<[1], [1], [0], [0], [0, 0, 1, 0], [], []>, transpose_lhs_hint = false} : vector<16x16xf32>, vector<16x16xf32>, vector<16x16xf32> -> vector<16x16xf32>
      %div3A_697 = arith.constant 4.000000e+00 : f32
      %div3A_698 = vector.broadcast %div3A_697 : f32 to vector<16x16xf32>
      %div3A_699 = arith.divf %dot_general3A_696, %div3A_698 : vector<16x16xf32>
      %add3A_700 = arith.addf %div3A_699, %mul3A_691 : vector<16x16xf32>
      %reduce_max3A = arith.constant dense<0xFF800000> : vector<16xf32>
      %reduce_max3A_701 = vector.multi_reduction <maximumf>, %add3A_700, %reduce_max3A [1] : vector<16x16xf32> to vector<16xf32>
      %broadcast_in_dim3A_702 = vector.shape_cast %reduce_max3A_701 : vector<16xf32> to vector<16x1xf32>
      %sub3A_703 = vector.broadcast %broadcast_in_dim3A_702 : vector<16x1xf32> to vector<16x16xf32>
      %sub3A_704 = arith.subf %add3A_700, %sub3A_703 : vector<16x16xf32>
      %exp3A = math.exp %sub3A_704 : vector<16x16xf32>
      %reduce_sum3A_705 = arith.constant dense<0.000000e+00> : vector<16xf32>
      %reduce_sum3A_706 = vector.multi_reduction <add>, %exp3A, %reduce_sum3A_705 [1] : vector<16x16xf32> to vector<16xf32>
      %broadcast_in_dim3A_707 = vector.shape_cast %reduce_sum3A_706 : vector<16xf32> to vector<16x1xf32>
      %div3A_708 = vector.broadcast %broadcast_in_dim3A_707 : vector<16x1xf32> to vector<16x16xf32>
      %div3A_709 = arith.divf %exp3A, %div3A_708 : vector<16x16xf32>
      %dot_general3A_710 = arith.constant dense<0.000000e+00> : vector<16x16xf32>
      %dot_general3A_711 = tpu.matmul %div3A_709, %slice3A_694, %dot_general3A_710 {dimension_numbers = #tpu.dot_dimension_numbers<[1], [0], [0], [1], [0, 0, 1, 1], [], []>, transpose_lhs_hint = false} : vector<16x16xf32>, vector<16x16xf32>, vector<16x16xf32> -> vector<16x16xf32>
      %swap3A_712 = arith.index_cast %mul3A_491 : i32 to index
      %swap3A_713 = arith.constant 0 : index
      %swap3A_714 = vector.load %arg33[%swap3A_712, %swap3A_713] : memref<640x64xf32, #tpu.memory_space<vmem>>, vector<16x16xf32>
      tpu.vector_store %arg33[%swap3A_712, %swap3A_713], %dot_general3A_711 {strides = array<i32>} : memref<640x64xf32, #tpu.memory_space<vmem>>, vector<16x16xf32>,
      %slice3A_715 = vector.extract_strided_slice %get3A_494 {offsets = [0, 16], sizes = [16, 16], strides = [1, 1]} : vector<16x64xf32> to vector<16x16xf32>
      %slice3A_716 = vector.extract_strided_slice %get3A_497 {offsets = [0, 16], sizes = [16, 16], strides = [1, 1]} : vector<16x64xf32> to vector<16x16xf32>
      %slice3A_717 = vector.extract_strided_slice %get3A_500 {offsets = [0, 16], sizes = [16, 16], strides = [1, 1]} : vector<16x64xf32> to vector<16x16xf32>
      %dot_general3A_718 = arith.constant dense<0.000000e+00> : vector<16x16xf32>
      %dot_general3A_719 = tpu.matmul %slice3A_715, %slice3A_716, %dot_general3A_718 {dimension_numbers = #tpu.dot_dimension_numbers<[1], [1], [0], [0], [0, 0, 1, 0], [], []>, transpose_lhs_hint = false} : vector<16x16xf32>, vector<16x16xf32>, vector<16x16xf32> -> vector<16x16xf32>
      %div3A_720 = arith.constant 4.000000e+00 : f32
      %div3A_721 = vector.broadcast %div3A_720 : f32 to vector<16x16xf32>
      %div3A_722 = arith.divf %dot_general3A_719, %div3A_721 : vector<16x16xf32>
      %add3A_723 = arith.addf %div3A_722, %mul3A_691 : vector<16x16xf32>
      %reduce_max3A_724 = arith.constant dense<0xFF800000> : vector<16xf32>
      %reduce_max3A_725 = vector.multi_reduction <maximumf>, %add3A_723, %reduce_max3A_724 [1] : vector<16x16xf32> to vector<16xf32>
      %broadcast_in_dim3A_726 = vector.shape_cast %reduce_max3A_725 : vector<16xf32> to vector<16x1xf32>
      %sub3A_727 = vector.broadcast %broadcast_in_dim3A_726 : vector<16x1xf32> to vector<16x16xf32>
      %sub3A_728 = arith.subf %add3A_723, %sub3A_727 : vector<16x16xf32>
      %exp3A_729 = math.exp %sub3A_728 : vector<16x16xf32>
      %reduce_sum3A_730 = arith.constant dense<0.000000e+00> : vector<16xf32>
      %reduce_sum3A_731 = vector.multi_reduction <add>, %exp3A_729, %reduce_sum3A_730 [1] : vector<16x16xf32> to vector<16xf32>
      %broadcast_in_dim3A_732 = vector.shape_cast %reduce_sum3A_731 : vector<16xf32> to vector<16x1xf32>
      %div3A_733 = vector.broadcast %broadcast_in_dim3A_732 : vector<16x1xf32> to vector<16x16xf32>
      %div3A_734 = arith.divf %exp3A_729, %div3A_733 : vector<16x16xf32>
      %dot_general3A_735 = arith.constant dense<0.000000e+00> : vector<16x16xf32>
      %dot_general3A_736 = tpu.matmul %div3A_734, %slice3A_717, %dot_general3A_735 {dimension_numbers = #tpu.dot_dimension_numbers<[1], [0], [0], [1], [0, 0, 1, 1], [], []>, transpose_lhs_hint = false} : vector<16x16xf32>, vector<16x16xf32>, vector<16x16xf32> -> vector<16x16xf32>
      %swap3A_737 = arith.index_cast %mul3A_491 : i32 to index
      %swap3A_738 = arith.constant 16 : index
      %swap3A_739 = vector.load %arg33[%swap3A_737, %swap3A_738] : memref<640x64xf32, #tpu.memory_space<vmem>>, vector<16x16xf32>
      tpu.vector_store %arg33[%swap3A_737, %swap3A_738], %dot_general3A_736 {strides = array<i32>} : memref<640x64xf32, #tpu.memory_space<vmem>>, vector<16x16xf32>,
      %slice3A_740 = vector.extract_strided_slice %get3A_494 {offsets = [0, 32], sizes = [16, 16], strides = [1, 1]} : vector<16x64xf32> to vector<16x16xf32>
      %slice3A_741 = vector.extract_strided_slice %get3A_497 {offsets = [0, 32], sizes = [16, 16], strides = [1, 1]} : vector<16x64xf32> to vector<16x16xf32>
      %slice3A_742 = vector.extract_strided_slice %get3A_500 {offsets = [0, 32], sizes = [16, 16], strides = [1, 1]} : vector<16x64xf32> to vector<16x16xf32>
      %dot_general3A_743 = arith.constant dense<0.000000e+00> : vector<16x16xf32>
      %dot_general3A_744 = tpu.matmul %slice3A_740, %slice3A_741, %dot_general3A_743 {dimension_numbers = #tpu.dot_dimension_numbers<[1], [1], [0], [0], [0, 0, 1, 0], [], []>, transpose_lhs_hint = false} : vector<16x16xf32>, vector<16x16xf32>, vector<16x16xf32> -> vector<16x16xf32>
      %div3A_745 = arith.constant 4.000000e+00 : f32
      %div3A_746 = vector.broadcast %div3A_745 : f32 to vector<16x16xf32>
      %div3A_747 = arith.divf %dot_general3A_744, %div3A_746 : vector<16x16xf32>
      %add3A_748 = arith.addf %div3A_747, %mul3A_691 : vector<16x16xf32>
      %reduce_max3A_749 = arith.constant dense<0xFF800000> : vector<16xf32>
      %reduce_max3A_750 = vector.multi_reduction <maximumf>, %add3A_748, %reduce_max3A_749 [1] : vector<16x16xf32> to vector<16xf32>
      %broadcast_in_dim3A_751 = vector.shape_cast %reduce_max3A_750 : vector<16xf32> to vector<16x1xf32>
      %sub3A_752 = vector.broadcast %broadcast_in_dim3A_751 : vector<16x1xf32> to vector<16x16xf32>
      %sub3A_753 = arith.subf %add3A_748, %sub3A_752 : vector<16x16xf32>
      %exp3A_754 = math.exp %sub3A_753 : vector<16x16xf32>
      %reduce_sum3A_755 = arith.constant dense<0.000000e+00> : vector<16xf32>
      %reduce_sum3A_756 = vector.multi_reduction <add>, %exp3A_754, %reduce_sum3A_755 [1] : vector<16x16xf32> to vector<16xf32>
      %broadcast_in_dim3A_757 = vector.shape_cast %reduce_sum3A_756 : vector<16xf32> to vector<16x1xf32>
      %div3A_758 = vector.broadcast %broadcast_in_dim3A_757 : vector<16x1xf32> to vector<16x16xf32>
      %div3A_759 = arith.divf %exp3A_754, %div3A_758 : vector<16x16xf32>
      %dot_general3A_760 = arith.constant dense<0.000000e+00> : vector<16x16xf32>
      %dot_general3A_761 = tpu.matmul %div3A_759, %slice3A_742, %dot_general3A_760 {dimension_numbers = #tpu.dot_dimension_numbers<[1], [0], [0], [1], [0, 0, 1, 1], [], []>, transpose_lhs_hint = false} : vector<16x16xf32>, vector<16x16xf32>, vector<16x16xf32> -> vector<16x16xf32>
      %swap3A_762 = arith.index_cast %mul3A_491 : i32 to index
      %swap3A_763 = arith.constant 32 : index
      %swap3A_764 = vector.load %arg33[%swap3A_762, %swap3A_763] : memref<640x64xf32, #tpu.memory_space<vmem>>, vector<16x16xf32>
      tpu.vector_store %arg33[%swap3A_762, %swap3A_763], %dot_general3A_761 {strides = array<i32>} : memref<640x64xf32, #tpu.memory_space<vmem>>, vector<16x16xf32>,
      %slice3A_765 = vector.extract_strided_slice %get3A_494 {offsets = [0, 48], sizes = [16, 16], strides = [1, 1]} : vector<16x64xf32> to vector<16x16xf32>
      %slice3A_766 = vector.extract_strided_slice %get3A_497 {offsets = [0, 48], sizes = [16, 16], strides = [1, 1]} : vector<16x64xf32> to vector<16x16xf32>
      %slice3A_767 = vector.extract_strided_slice %get3A_500 {offsets = [0, 48], sizes = [16, 16], strides = [1, 1]} : vector<16x64xf32> to vector<16x16xf32>
      %dot_general3A_768 = arith.constant dense<0.000000e+00> : vector<16x16xf32>
      %dot_general3A_769 = tpu.matmul %slice3A_765, %slice3A_766, %dot_general3A_768 {dimension_numbers = #tpu.dot_dimension_numbers<[1], [1], [0], [0], [0, 0, 1, 0], [], []>, transpose_lhs_hint = false} : vector<16x16xf32>, vector<16x16xf32>, vector<16x16xf32> -> vector<16x16xf32>
      %div3A_770 = arith.constant 4.000000e+00 : f32
      %div3A_771 = vector.broadcast %div3A_770 : f32 to vector<16x16xf32>
      %div3A_772 = arith.divf %dot_general3A_769, %div3A_771 : vector<16x16xf32>
      %add3A_773 = arith.addf %div3A_772, %mul3A_691 : vector<16x16xf32>
      %reduce_max3A_774 = arith.constant dense<0xFF800000> : vector<16xf32>
      %reduce_max3A_775 = vector.multi_reduction <maximumf>, %add3A_773, %reduce_max3A_774 [1] : vector<16x16xf32> to vector<16xf32>
      %broadcast_in_dim3A_776 = vector.shape_cast %reduce_max3A_775 : vector<16xf32> to vector<16x1xf32>
      %sub3A_777 = vector.broadcast %broadcast_in_dim3A_776 : vector<16x1xf32> to vector<16x16xf32>
      %sub3A_778 = arith.subf %add3A_773, %sub3A_777 : vector<16x16xf32>
      %exp3A_779 = math.exp %sub3A_778 : vector<16x16xf32>
      %reduce_sum3A_780 = arith.constant dense<0.000000e+00> : vector<16xf32>
      %reduce_sum3A_781 = vector.multi_reduction <add>, %exp3A_779, %reduce_sum3A_780 [1] : vector<16x16xf32> to vector<16xf32>
      %broadcast_in_dim3A_782 = vector.shape_cast %reduce_sum3A_781 : vector<16xf32> to vector<16x1xf32>
      %div3A_783 = vector.broadcast %broadcast_in_dim3A_782 : vector<16x1xf32> to vector<16x16xf32>
      %div3A_784 = arith.divf %exp3A_779, %div3A_783 : vector<16x16xf32>
      %dot_general3A_785 = arith.constant dense<0.000000e+00> : vector<16x16xf32>
      %dot_general3A_786 = tpu.matmul %div3A_784, %slice3A_767, %dot_general3A_785 {dimension_numbers = #tpu.dot_dimension_numbers<[1], [0], [0], [1], [0, 0, 1, 1], [], []>, transpose_lhs_hint = false} : vector<16x16xf32>, vector<16x16xf32>, vector<16x16xf32> -> vector<16x16xf32>
      %swap3A_787 = arith.index_cast %mul3A_491 : i32 to index
      %swap3A_788 = arith.constant 48 : index
      %swap3A_789 = vector.load %arg33[%swap3A_787, %swap3A_788] : memref<640x64xf32, #tpu.memory_space<vmem>>, vector<16x16xf32>
      tpu.vector_store %arg33[%swap3A_787, %swap3A_788], %dot_general3A_786 {strides = array<i32>} : memref<640x64xf32, #tpu.memory_space<vmem>>, vector<16x16xf32>,
    }
    %scan3A_394 = arith.constant 40 : i32
    %get3A_395 = arith.constant 0 : index
    %get3A_396 = arith.constant 0 : index
    %get3A_397 = vector.load %arg33[%get3A_395, %get3A_396] : memref<640x64xf32, #tpu.memory_space<vmem>>, vector<640x64xf32>
    %get3A_398 = arith.constant 0 : index
    %get3A_399 = arith.constant 0 : index
    %get3A_400 = vector.load %arg24[%get3A_398, %get3A_399] : memref<64x64xf32, #tpu.memory_space<vmem>>, vector<64x64xf32>
    %dot_general3A_401 = arith.constant dense<0.000000e+00> : vector<640x64xf32>
    %dot_general3A_402 = tpu.matmul %get3A_397, %get3A_400, %dot_general3A_401 {dimension_numbers = #tpu.dot_dimension_numbers<[1], [0], [0], [1], [0, 0, 1, 1], [], []>, transpose_lhs_hint = false} : vector<640x64xf32>, vector<64x64xf32>, vector<640x64xf32> -> vector<640x64xf32>
    %add3A_403 = arith.addf %add3A_348, %dot_general3A_402 : vector<640x64xf32>
    %get3A_404 = arith.constant 0 : index
    %get3A_405 = arith.constant 0 : index
    %get3A_406 = vector.load %arg25[%get3A_404, %get3A_405] : memref<1x64xf32, #tpu.memory_space<vmem>>, vector<1x64xf32>
    %get3A_407 = arith.constant 0 : index
    %get3A_408 = arith.constant 0 : index
    %get3A_409 = vector.load %arg26[%get3A_407, %get3A_408] : memref<1x64xf32, #tpu.memory_space<vmem>>, vector<1x64xf32>
    %reduce_sum3A_410 = arith.constant dense<0.000000e+00> : vector<64xf32>
    %reduce_sum3A_411 = vector.multi_reduction <add>, %add3A_403, %reduce_sum3A_410 [0] : vector<640x64xf32> to vector<64xf32>
    %broadcast_in_dim3A_412 = vector.shape_cast %reduce_sum3A_411 : vector<64xf32> to vector<1x64xf32>
    %div3A_413 = arith.constant 6.400000e+02 : f32
    %div3A_414 = vector.broadcast %div3A_413 : f32 to vector<1x64xf32>
    %div3A_415 = arith.divf %broadcast_in_dim3A_412, %div3A_414 : vector<1x64xf32>
    %sub3A_416 = vector.broadcast %div3A_415 : vector<1x64xf32> to vector<640x64xf32>
    %sub3A_417 = arith.subf %add3A_403, %sub3A_416 : vector<640x64xf32>
    %square3A_418 = arith.mulf %sub3A_417, %sub3A_417 : vector<640x64xf32>
    %reduce_sum3A_419 = arith.constant dense<0.000000e+00> : vector<64xf32>
    %reduce_sum3A_420 = vector.multi_reduction <add>, %square3A_418, %reduce_sum3A_419 [0] : vector<640x64xf32> to vector<64xf32>
    %broadcast_in_dim3A_421 = vector.shape_cast %reduce_sum3A_420 : vector<64xf32> to vector<1x64xf32>
    %div3A_422 = arith.constant 6.400000e+02 : f32
    %div3A_423 = vector.broadcast %div3A_422 : f32 to vector<1x64xf32>
    %div3A_424 = arith.divf %broadcast_in_dim3A_421, %div3A_423 : vector<1x64xf32>
    %sub3A_425 = vector.broadcast %div3A_415 : vector<1x64xf32> to vector<640x64xf32>
    %sub3A_426 = arith.subf %add3A_403, %sub3A_425 : vector<640x64xf32>
    %add3A_427 = arith.constant 9.99999974E-6 : f32
    %add3A_428 = vector.broadcast %add3A_427 : f32 to vector<1x64xf32>
    %add3A_429 = arith.addf %div3A_424, %add3A_428 : vector<1x64xf32>
    %sqrt3A_430 = math.sqrt %add3A_429 : vector<1x64xf32>
    %div3A_431 = vector.broadcast %sqrt3A_430 : vector<1x64xf32> to vector<640x64xf32>
    %div3A_432 = arith.divf %sub3A_426, %div3A_431 : vector<640x64xf32>
    %mul3A_433 = vector.broadcast %get3A_406 : vector<1x64xf32> to vector<640x64xf32>
    %mul3A_434 = arith.mulf %div3A_432, %mul3A_433 : vector<640x64xf32>
    %add3A_435 = vector.broadcast %get3A_409 : vector<1x64xf32> to vector<640x64xf32>
    %add3A_436 = arith.addf %mul3A_434, %add3A_435 : vector<640x64xf32>
    %get3A_437 = arith.constant 0 : index
    %get3A_438 = arith.constant 0 : index
    %get3A_439 = vector.load %arg27[%get3A_437, %get3A_438] : memref<64x256xf32, #tpu.memory_space<vmem>>, vector<64x256xf32>
    %dot_general3A_440 = arith.constant dense<0.000000e+00> : vector<640x256xf32>
    %dot_general3A_441 = tpu.matmul %add3A_436, %get3A_439, %dot_general3A_440 {dimension_numbers = #tpu.dot_dimension_numbers<[1], [0], [0], [1], [0, 0, 1, 1], [], []>, transpose_lhs_hint = false} : vector<640x64xf32>, vector<64x256xf32>, vector<640x256xf32> -> vector<640x256xf32>
    %get3A_442 = arith.constant 0 : index
    %get3A_443 = arith.constant 0 : index
    %get3A_444 = vector.load %arg28[%get3A_442, %get3A_443] : memref<1x256xf32, #tpu.memory_space<vmem>>, vector<1x256xf32>
    %add3A_445 = vector.broadcast %get3A_444 : vector<1x256xf32> to vector<640x256xf32>
    %add3A_446 = arith.addf %dot_general3A_441, %add3A_445 : vector<640x256xf32>
    %div3A_447 = arith.constant 2.000000e+00 : f32
    %div3A_448 = vector.broadcast %div3A_447 : f32 to vector<640x256xf32>
    %div3A_449 = arith.divf %add3A_446, %div3A_448 : vector<640x256xf32>
    %sub3A_450 = arith.constant 1.000000e+00 : f32
    %sub3A_451 = vector.broadcast %sub3A_450 : f32 to vector<640x256xf32>
    %sub3A_452 = arith.subf %div3A_449, %sub3A_451 : vector<640x256xf32>
    %ge3A_453 = arith.constant 0.000000e+00 : f32
    %ge3A_454 = vector.broadcast %ge3A_453 : f32 to vector<640x256xf32>
    %ge3A_455 = arith.cmpf oge, %sub3A_452, %ge3A_454 : vector<640x256xf32>
    %jit3A_456 = arith.constant 1.000000e+00 : f32
    %jit3A_457 = arith.constant 0.000000e+00 : f32
    %broadcast_in_dim3A_458 = vector.broadcast %jit3A_456 : f32 to vector<640x256xf32>
    %broadcast_in_dim3A_459 = vector.broadcast %jit3A_457 : f32 to vector<640x256xf32>
    %select_n3A_460 = arith.select %ge3A_455, %broadcast_in_dim3A_458, %broadcast_in_dim3A_459 : vector<640x256xi1>, vector<640x256xf32>
    %get3A_461 = arith.constant 0 : index
    %get3A_462 = arith.constant 0 : index
    %get3A_463 = vector.load %arg29[%get3A_461, %get3A_462] : memref<256x64xf32, #tpu.memory_space<vmem>>, vector<256x64xf32>
    %dot_general3A_464 = arith.constant dense<0.000000e+00> : vector<640x64xf32>
    %dot_general3A_465 = tpu.matmul %select_n3A_460, %get3A_463, %dot_general3A_464 {dimension_numbers = #tpu.dot_dimension_numbers<[1], [0], [0], [1], [0, 0, 1, 1], [], []>, transpose_lhs_hint = false} : vector<640x256xf32>, vector<256x64xf32>, vector<640x64xf32> -> vector<640x64xf32>
    %get3A_466 = arith.constant 0 : index
    %get3A_467 = arith.constant 0 : index
    %get3A_468 = vector.load %arg30[%get3A_466, %get3A_467] : memref<1x64xf32, #tpu.memory_space<vmem>>, vector<1x64xf32>
    %add3A_469 = vector.broadcast %get3A_468 : vector<1x64xf32> to vector<640x64xf32>
    %add3A_470 = arith.addf %dot_general3A_465, %add3A_469 : vector<640x64xf32>
    %div3A_471 = arith.constant 2.000000e+00 : f32
    %div3A_472 = vector.broadcast %div3A_471 : f32 to vector<640x64xf32>
    %div3A_473 = arith.divf %add3A_470, %div3A_472 : vector<640x64xf32>
    %sub3A_474 = arith.constant 1.000000e+00 : f32
    %sub3A_475 = vector.broadcast %sub3A_474 : f32 to vector<640x64xf32>
    %sub3A_476 = arith.subf %div3A_473, %sub3A_475 : vector<640x64xf32>
    %ge3A_477 = arith.constant 0.000000e+00 : f32
    %ge3A_478 = vector.broadcast %ge3A_477 : f32 to vector<640x64xf32>
    %ge3A_479 = arith.cmpf oge, %sub3A_476, %ge3A_478 : vector<640x64xf32>
    %jit3A_480 = arith.constant 1.000000e+00 : f32
    %jit3A_481 = arith.constant 0.000000e+00 : f32
    %broadcast_in_dim3A_482 = vector.broadcast %jit3A_480 : f32 to vector<640x64xf32>
    %broadcast_in_dim3A_483 = vector.broadcast %jit3A_481 : f32 to vector<640x64xf32>
    %select_n3A_484 = arith.select %ge3A_479, %broadcast_in_dim3A_482, %broadcast_in_dim3A_483 : vector<640x64xi1>, vector<640x64xf32>
    %add3A_485 = arith.addf %add3A_403, %select_n3A_484 : vector<640x64xf32>
    %swap3A_486 = arith.constant 0 : index
    %swap3A_487 = arith.constant 0 : index
    %swap3A_488 = vector.load %arg31[%swap3A_486, %swap3A_487] : memref<640x64xf32, #tpu.memory_space<vmem>>, vector<640x64xf32>
    tpu.vector_store %arg31[%swap3A_486, %swap3A_487], %add3A_485 {strides = array<i32>} : memref<640x64xf32, #tpu.memory_space<vmem>>, vector<640x64xf32>,
    return
  }
}

</mosaic_0001>

<sc_bundles>
// kernel: sparse-core-data-format-call.1.cloned.1.call-start
scs
called_computation.1_lowered:
.L_overlay_start_0:
0x0: {  	s1 =	sld [smem:$0x3FD9]  }
0x1: {  	s2 =	sld [smem:$0x3FFE];
	_ =	sdelay $0x1  }
0x2: {  	s3 =	srdreg.scid  }
0x3: {  	s0 =	sand.u32 $0x1, s3  }
0x4: {  	s17 =	sshll.u32 s0, $0xA;
	s1 =	sadd.s32 s2, s1  }
0x5: {  	s1 =	sadd.s32 s1, s17  }
0x6: {  	[smem:$0x3F91] =	sst s1  }
0x7: {  	_ = 	snop  }
0x8: {  	(tm) =	ssettm $0x1  }
0x9: {  	s18 =	sld [smem:$0x3FFB];
	_ =	sdelay $0x3  }
0xa: {  	_ =	strace s18  }
0xb: {  	s1 =	sld [smem:$0x3FFC];
	_ =	sdelay $0x3  }
0xc: {  	_ =	strace s1  }
0xd: {  	s1 =	sld [smem:$0x3FFD];
	_ =	sdelay $0x3  }
0xe: {  	_ =	strace s1  }
0xf: {  	_ =	strace $0x8FFFFFFF  }
0x10: {  	s19 =	sld [smem:$0x3FDB];
	_ =	sdelay $0x1  }
0x11: {  	s20 =	simm.s32 $_scs_section_size  }
0x12: {  	s4 =	simm.s32 $_size__tile_overlayer_lowered;
	s5 =	simm.s32 $_tile_overlayer_lowered  }
0x13: {  	s23 =	simm.s32 $0x1BFF;
	s22 =	sshll.u32 s5, $0x1;
	s1 =	sadd.s32 s20, s19  }
0x14: {  	s6 =	simm.s32 $0x0;
	s21 =	sshll.u32 s4, $0x1;
	s4 =	sadd.s32 s22, s1  }
0x15: {  	[timem:s6], [sflag:s23] =	dma.local [hbm:s4], s21  }
0x16: {  	_ =	swait.ge [sflag:s23], s21  }
0x17: {  	s2 =	ssub.s32 $0x0, s21;
	[sflag:s23] =	ssyncset.done $0x0  }
0x18: {  	[sflag:s23] =	ssyncadd.s32 s2;
	_ =	sdelay $0x1  }
0x19: {  	s24 =	simm.s32 $0x1B8B  }
0x1a: {  	_ =	swait.ge [sflag:s24], $0x1  }
0x1b: {  	[sflag:s24] =	ssyncset.done $0x0  }
0x1c: {  	s26 =	simm.s32 $0x1B8E;
	s25 =	sld [smem:$0x3FFE];
	[sflag:s24] =	ssyncadd.s32 $0xFFFFFFFF  }
0x1d: {  	s27 =	simm.s32 $execute0_lowered;
	[smem:$0x3FD2] =	sst s26  }
0x1e: {  	s4 =	sshll.u32 s27, $0x1;
	_ =	strace $0x80000046;
	[dreg:$0x1] =	wrdreg $0xFFFFFFFF  }
0x1f: {  	s28 =	simm.s32 $_size_execute0_lowered;
	s1 =	sadd.s32 s1, s4;
	[dreg:$0x0] =	wrdreg $0x0  }
0x20: {  	s4 =	sshll.u32 s28, $0x1;
	[dreg:$0x2] =	wrdreg s1  }
0x21: {  	[dreg:$0x3] =	wrdreg s4  }
0x22: {  	[dreg:$0x4] =	wrdreg $0xC0  }
0x23: {  	_ =	task [dreg:s6], $0x5FFFF  }
0x24: {  	[dreg:$0x1] =	wrdreg $0xFFFFFFFF  }
0x25: {  	[dreg:$0x0] =	wrdreg $0x60  }
0x26: {  	[dreg:$0x2] =	wrdreg s25  }
0x27: {  	[dreg:$0x3] =	wrdreg $0x9  }
0x28: {  	_ =	task.clear_ibuf [dreg:s6], $0x4FFFF;
	_ =	strace $0x90000046  }
0x29: {  	s29 =	simm.s32 $0x9;
	_ =	strace $0x80000048  }
0x2a: {  	_ =	swait.ge [sflag:s29], $0x1  }
0x2b: {  	[sflag:s29] =	ssyncadd.s32 $0xFFFFFFFF  }
0x2c: {  	_ =	strace $0x90000048  }
0x2d: {  	_ =	sfence  }
0x2e: {  	s30 =	sld [smem:$0x0];
	_ =	sdelay $0x2  }
0x2f: {  	s31 =	sshll.u32 s3, $0xD;
	s3 =	sshrl.u32 s3, $0x2  }
0x30: {  	s2 =	sand.u32 $0x4000, s31;
	s1 =	sadd.s32 s3, s30  }
0x31: {  	s0 =	sor.u32 s2, s0;
	s1 =	sshll.u32 s1, $0x11  }
0x32: {  	s0 =	sor.u32 s1, s0  }
0x33: {  	s0 =	sadd.s32 $0x8F2B, s0  }
0x34: {  	[sflag:s0] =	ssyncadd.remote.s32 $0x1  }
0x35: {  	_ =	sfence.sel $0xFFFF  }
0x36: {  	[dreg:$0x0] =	wrdreg $0xFFFFFFFF;
	(pc) =	sbr.abs _section_cstart, $3  }
0x37: {  	[dreg:$0x1] =	wrdreg $0xFFFFFFFF  }
0x38: {  	_ =	task.clear_ibuf [dreg:s6], $0x2FFFF;
	_ =	strace $0x9FFFFFFF  }
0x39: {  	(tm) =	ssettm $0x7FFFFFFF  }
tec
execute0_lowered:
.L_overlay_start_1:
0x0: {  	(tag) =	ssettag $0x1  }
0x1: {  	s0 =	srdreg.scid  }
0x2: {  	s7 =	rddreg [dreg:$0x0];
	s1 =	stileid.u32  }
0x3: {  	s5 =	simm.s32 $0x1;
	s8 =	simm.s32 $0x2;
	s15 =	simm.s32 $0x0  }
0x4: {  	p0 =	por $0x0, $0x0;
	s16 =	simm.s32 $0x0;
	s17 =	simm.s32 $0x0  }
0x5: {  	s14 =	simm.s32 $0x0;
	s10 =	simm.s32 $0x0;
	s11 =	simm.s32 $0x0  }
0x6: {  	s9 =	simm.s32 $0x0;
	s2 =	sshll.u32 s0, $0x4;
	s0 =	rddreg [dreg:$0x1]  }
.Ltmp0:
0x7: {  	_ =	strace $0x80000047;
	s6 =	sshll.u32 s1, $0x7;
	(pc) =	sbr.rel .LBB1_1-.Ltmp0, $4  }
0x8: {  	s3 =	sand.u32 $0x10, s2;
	s2 =	sadd.s32 $0x2C00, s7;
	[sflag:s5] =	ssyncpa.u1 $0x0  }
0x9: {  	s6 =	sand.u32 $0x80, s6;
	s4 =	sor.u32 s1, s3;
	s3 =	sadd.s32 $0x5A2C00, s7  }
0xa: {  	[sflag:s8] =	ssyncpa.u1 $0x0;
	s7 =	sadd.s32 $0x5A3E00, s7;
	s4 =	sshrl.u32 s4, $0x1  }
0xb: {  	s8 =	simm.s32 $0x400;
	s13 =	smov.u32 s6;
	s12 =	smov.u32 s4  }
.LBB1_5:
0xc: {  	s18 =	sadd.s32 $0x2, s10  }
0xd: {  	s14 =	simm.s32 $0x1;
	p2 =	sgt.s32 s18, $0x7  }
0xe: {  	s14 =	simm.s32 @!p2 $0x0  }
0xf: {  	s19 =	sadd.s32 s14, s11  }
0x10: {  	s20 =	smov.u32 s12;
	s14 =	sadd.s32 $0x10, s12;
	p3 =	sgt.s32 s19, $0x8  }
0x11: {  	s20 =	smov.u32 @p3 s14  }
0x12: {  	s21 =	smov.u32 s13;
	s14 =	sadd.s32 $0x100, s13;
	p4 =	sgt.s32 s20, $0x3F  }
0x13: {  	p1 =	slt.u32 s9, $0x2;
	s21 =	smov.u32 @p4 s14  }
0x14: {  	s9 =	sadd.s32 $0x1, s9;
	s18 =	simm.s32 @p2 $0x0;
	p2 =	sgt.s32 s21, $0x9F  }
0x15: {  	s15 =	smov.u32 s10;
	s21 =	smov.u32 @p2 s6;
	p2 =	sne.s32 s9, $0x92  }
.Ltmp1:
0x16: {  	s16 =	smov.u32 s11;
	s22 =	simm.s32 @!p1 $0x2;
	(pc) =	sbr.rel @!p2 .LBB1_6-.Ltmp1, $4  }
0x17: {  	s17 =	smov.u32 s12;
	p0 =	por !p0, !p0;
	_ =	swait.ge @!p1 [sflag:s22], $0x1000  }
0x18: {  	[sflag:s22] =	ssyncset.done @!p1 $0x0;
	s10 =	smov.u32 s18;
	s19 =	simm.s32 @p3 $0x0  }
0x19: {  	[sflag:s22] =	ssyncadd.s32 @!p1 $0xFFFFF000;
	s11 =	smov.u32 s19;
	s20 =	smov.u32 @p4 s4  }
0x1a: {  	s14 =	smov.u32 s13;
	s12 =	smov.u32 s20;
	s13 =	smov.u32 s21  }
.LBB1_1:
0x1b: {  	p1 =	sgt.u32 s9, $0x8F;
	s18 =	smov.u32 s12;
	s20 =	smov.u32 s13  }
0x1c: {  	s22 =	smov.u32 s10;
	p2 =	sgt.s32 @!p1 s13, $0x20;
	p3 =	sgt.s32 @!p1 s12, $0x3F  }
0x1d: {  	s19 =	sshra.s32 @!p1 s12, $0x1F;
	s21 =	sshra.s32 @!p1 s13, $0x1F;
	p2 =	por !p2, p1  }
0x1e: {  	p3 =	por !p3, p1;
	s19 =	sand.u32 @!p1 s19, s12;
	s21 =	sand.u32 @!p1 s21, s13  }
0x1f: {  	s18 =	simm.s32 @p3 $0x3F;
	s20 =	simm.s32 @p2 $0x20;
	p3 =	sgt.s32 @!p1 s11, $0x8  }
0x20: {  	s18 =	ssub.s32 @!p1 s18, s19;
	s19 =	ssub.s32 @!p1 s20, s21;
	p3 =	por !p3, p1  }
0x21: {  	s21 =	sshra.s32 @!p1 s11, $0x1F;
	s20 =	sadd.s32 @!p1 $0xFFFFFFC1, s18;
	s19 =	sadd.s32 @!p1 $0xFFFFFFE0, s19  }
0x22: {  	s18 =	ssub.s32 @!p1 $0x40, s18;
	p2 =	sgt.s32 @!p1 s20, $0x0;
	s20 =	smov.u32 s11  }
0x23: {  	s21 =	sand.u32 @!p1 s21, s11;
	p2 =	por !p2, p1;
	s20 =	simm.s32 @p3 $0x8  }
0x24: {  	p3 =	sgt.s32 @!p1 s19, $0x7F;
	s19 =	sshll.u32 @!p1 s19, $0x4;
	s18 =	simm.s32 @!p2 $0x0  }
0x25: {  	s20 =	ssub.s32 @!p1 s20, s21;
	p2 =	sgt.s32 @!p1 s10, $0x6;
	s19 =	ssub.s32 @!p1 $0x800, s19  }
0x26: {  	p3 =	por !p3, p1;
	s21 =	sadd.s32 @!p1 $0xFFFFFFF8, s20;
	p2 =	por !p2, p1  }
0x27: {  	s22 =	simm.s32 @p2 $0x6;
	p2 =	sgt.s32 @!p1 s21, $0x0;
	s21 =	sshra.s32 @!p1 s10, $0x1F  }
0x28: {  	s20 =	ssub.s32 @!p1 $0x9, s20;
	s19 =	simm.s32 @!p3 $0x0;
	s21 =	sand.u32 @!p1 s21, s10  }
0x29: {  	s18 =	smul.u32 @!p1 s18, s19;
	p2 =	por !p2, p1;
	s21 =	ssub.s32 @!p1 s22, s21  }
0x2a: {  	s20 =	simm.s32 @!p2 $0x0;
	s19 =	sadd.s32 @!p1 $0xFFFFFFFA, s21  }
0x2b: {  	s18 =	smul.u32 @!p1 s20, s18;
	p2 =	sgt.s32 @!p1 s19, $0x1  }
0x2c: {  	s20 =	smul.u32 @!p1 $0x9000, s13;
	s19 =	ssub.s32 @!p1 $0x8, s21;
	p2 =	por !p2, p1  }
0x2d: {  	s21 =	smul.u32 @!p1 $0x240, s12;
	s19 =	simm.s32 @!p2 $0x0  }
0x2e: {  	s18 =	smul.u32 @!p1 s19, s18;
	s19 =	sadd.s32 @!p1 s2, s20  }
0x2f: {  	s22 =	sshll.u32 @!p1 s10, $0x3;
	s20 =	sshll.u32 @!p1 s11, $0x6;
	s19 =	sadd.s32 @!p1 s21, s19  }
0x30: {  	s22 =	sand.u32 @!p1 $0x30, s22;
	s21 =	sxor.u32 @!p1 $0xFFFFFFFF, s9;
	s19 =	sadd.s32 @!p1 s20, s19  }
0x31: {  	s18 =	sand.u32 @!p1 $0x3FFFFFF0, s18;
	s20 =	sshll.u32 @!p1 s21, $0xC;
	s21 =	simm.s32 @!p1 $0x20  }
0x32: {  	s19 =	sadd.s32 @!p1 s22, s19;
	s20 =	sand.u32 @!p1 $0x1000, s20;
	s22 =	simm.s32 @!p1 $0x48000  }
0x33: {  	[tilespmem:s20], [sflag:$0x1] =	stream.strided.gather @!p1 [hbm4b:s19+s21], s18, s22, s21, $0x38;
	[tilespmem:$0x4040] =	vst v63  }
0x34: {  	p1 =	seq.s32 s9, $0x0  }
0x35: {  	p2 =	seq.s32 @!p1 s9, $0x91  }
0x36: {  	p1 =	por p1, p2  }
.Ltmp2:
0x37: {  	_ = 	snop;
	(pc) =	sbr.rel @p1 .LBB1_5-.Ltmp2, $1  }
0x38: {  	_ =	sdelay $0x3  }
0x39: {  	p1 =	sgt.s32 s14, $0x20  }
0x3a: {  	s18 =	smov.u32 s14;
	s19 =	sshra.s32 s14, $0x1F;
	s20 =	smov.u32 s17  }
0x3b: {  	s21 =	sshra.s32 s17, $0x1F;
	p2 =	sgt.s32 s16, $0x8;
	s26 =	sshra.s32 s16, $0x1F  }
0x3c: {  	s22 =	smov.u32 s15;
	s18 =	simm.s32 @!p1 $0x20;
	p1 =	sgt.s32 s17, $0x3F  }
0x3d: {  	s19 =	sand.u32 s19, s14;
	s21 =	sand.u32 s21, s17;
	s20 =	simm.s32 @!p1 $0x3F  }
0x3e: {  	s23 =	sshra.s32 s15, $0x1F;
	s18 =	ssub.s32 s18, s19;
	s25 =	ssub.s32 s20, s21  }
0x3f: {  	s27 =	sand.u32 s23, s15;
	s18 =	sadd.s32 $0xFFFFFFE0, s18;
	s20 =	sadd.s32 $0xFFFFFFC1, s25  }
0x40: {  	s21 =	sand.u32 s26, s16;
	p1 =	sgt.s32 s20, $0x0;
	s20 =	smov.u32 s16  }
0x41: {  	s19 =	ssub.s32 $0x40, s25;
	s20 =	simm.s32 @!p2 $0x8;
	p2 =	sgt.s32 s18, $0x7F  }
0x42: {  	s19 =	simm.s32 @p1 $0x0;
	p1 =	sgt.s32 s15, $0x6;
	s18 =	sshll.u32 s18, $0x4  }
0x43: {  	s20 =	ssub.s32 s20, s21;
	s22 =	simm.s32 @!p1 $0x6;
	s18 =	ssub.s32 $0x800, s18  }
0x44: {  	s21 =	sadd.s32 $0xFFFFFFF8, s20;
	s18 =	simm.s32 @p2 $0x0;
	s20 =	ssub.s32 $0x9, s20  }
0x45: {  	p1 =	sgt.s32 s21, $0x0;
	s21 =	ssub.s32 s22, s27;
	s18 =	smul.u32 s19, s18  }
0x46: {  	s20 =	simm.s32 @p1 $0x0;
	s28 =	sadd.s32 $0xFFFFFFFA, s21  }
0x47: {  	s19 =	ssub.s32 $0x8, s21;
	p1 =	sgt.s32 s28, $0x1;
	s18 =	smul.u32 s20, s18  }
0x48: {  	s19 =	simm.s32 @p1 $0x0  }
0x49: {  	s18 =	smul.u32 s19, s18  }
0x4a: {  	s20 =	simm.s32 $0x1  }
0x4b: {  	s20 =	simm.s32 @!p0 $0x0;
	s18 =	sand.u32 $0x3FFFFFF0, s18  }
0x4c: {  	s29 =	smul.u32 $0x4080, s20;
	_ =	swait.ge [sflag:s5], s18  }
0x4d: {  	s20 =	sshll.u32 s20, $0xC;
	s18 =	ssub.s32 $0x0, s18;
	[sflag:s5] =	ssyncset.done $0x0  }
0x4e: {  	s31 =	sor.u32 $0x10, s20;
	[sflag:s5] =	ssyncadd.s32 s18  }
0x4f: {  	v0 =	vld [tilespmem:s31+$0xFFFFFFF0]  }
0x50: {  	s30 =	sand.u32 $0x1, s9;
	v1 =	vld [tilespmem:s31+$0x0]  }
0x51: {  	s21 =	smul.u32 $0x4080, s30  }
0x52: {  	s22 =	simm.s32 $0x0  }
0x53: {  	s19 =	sshrl.u32 s29, $0x2;
	s23 =	sadd.s32 $0x20, s31;
	s18 =	sshrl.u32 s21, $0x2  }
0x54: {  	s20 =	sor.u32 $0x2000, s19;
	s21 =	simm.s32 $0x4;
	s19 =	sor.u32 $0x2000, s18  }
.LBB1_3:
0x55: {  	v2 =	vperm.xlane.i2c.b16 v1;
	v3 =	vperm.xlane.i2c.b16 v0;
	v0 =	vld [tilespmem:s23+$0xFFFFFFF0];
	s24 =	smov.u32 s21;
	p1 =	sne.s32 s21, $0x1FC  }
.Ltmp3:
0x56: {  	v1 =	vld [tilespmem:s23+$0x0];
	(pc) =	sbr.rel @p1 .LBB1_3-.Ltmp3, $4  }
0x57: {  	s21 =	sadd.s32 $0x4, s21;
	s22 =	sshra.s32 s22, $0x2;
	v4 =	vcombine.low v3, v2  }
0x58: {  	s25 =	sadd.s32 s22, s20;
	s22 =	smov.u32 s24;
	v2 =	vcombine.high v3, v2  }
0x59: {  	[tilespmem:s25+$0x0 ss:$0x81] =	vst.msk $0xffff, v4  }
0x5a: {  	s23 =	sadd.s32 $0x20, s23;
	[tilespmem:s25+$0x810 ss:$0x81] =	vst.msk $0xffff, v2  }
0x5b: {  	s17 =	smul.u32 $0x9000, s17  }
0x5c: {  	s21 =	sshra.s32 s22, $0x2;
	s16 =	sshll.u32 s16, $0x9;
	s15 =	smul.u32 $0x1200, s15  }
0x5d: {  	v1 =	vperm.xlane.i2c.b16 v1;
	v0 =	vperm.xlane.i2c.b16 v0;
	s27 =	sshrl.u32 s14, $0x1;
	s23 =	sshrl.u32 s14, $0x3;
	s29 =	sand.u32 $0x7, s14  }
0x5e: {  	s20 =	sadd.s32 s21, s20;
	s21 =	sand.u32 $0x1C0, s27;
	s28 =	sadd.s32 s17, s16  }
0x5f: {  	s23 =	sand.u32 $0xF, s23;
	v2 =	vcombine.low v0, v1;
	s17 =	sadd.s32 s17, s7;
	s22 =	sadd.s32 s3, s28  }
0x60: {  	s14 =	sshll.u32 s29, $0x12;
	v0 =	vcombine.high v0, v1;
	s17 =	sadd.s32 s21, s17;
	s22 =	sadd.s32 s21, s22  }
.Ltmp4:
0x61: {  	[tilespmem:s20+$0x0 ss:$0x81] =	vst.msk $0xffff, v2;
	s17 =	sadd.s32 s23, s17;
	s22 =	sadd.s32 s23, s22;
	(pc) =	sbr.rel .LBB1_5-.Ltmp4, $4  }
0x62: {  	s14 =	sor.u32 $0x200, s14;
	[tilespmem:s20+$0x810 ss:$0x81] =	vst.msk $0xffff, v0;
	s16 =	sadd.s32 s16, s17;
	s30 =	sadd.s32 s15, s22  }
0x63: {  	[hbm4b:s30+s14] =	stream.strided.scatter [tilespmem:s19], [sflag:$0x2], $0x800, s8, s14, $0x20;
	[tilespmem:$0x4040] =	vst v63  }
0x64: {  	s31 =	sadd.s32 $0x2810, s18;
	s15 =	sadd.s32 s15, s16  }
0x65: {  	[hbm4b:s15+s14] =	stream.strided.scatter [tilespmem:s31], [sflag:$0x2], $0x800, s8, s14, $0x20;
	[tilespmem:$0x4040] =	vst v63  }
.LBB1_6:
0x66: {  	_ =	sfence.sel $0x180000  }
0x67: {  	s2 =	simm.s32 $0x1;
	[bflag:$0x0] =	sbarrier.arrive $0xFFFF  }
0x68: {  	s31 =	simm.s32 $0x2;
	[sflag:s2] =	ssyncpa.u1 $0x1  }
0x69: {  	[sflag:s31] =	ssyncpa.u1 $0x1  }
0x6a: {  	p0 =	sne.s32 s1, $0x0;
	_ =	strace $0x90000047  }
0x6b: {  	s0 =	sadd.s32 @!p0 $0x100000, s0;
	[bflag:$0x2] =	sbarrier.arrive $0xFFFF  }
0x6c: {  	[sflag:s0] =	ssyncadd.tile.s32 @!p0 $0x1;
	_ =	shalt  }
.Lfunc_end1:
_tile_overlayer_lowered:
.L_overlay_start_2:
0x6d: {  	(tag) =	ssettag $0x2  }
0x6e: {  	s0 =	rddreg [dreg:$0x0];
	s2 =	stileid.u32  }
0x6f: {  	s1 =	rddreg [dreg:$0x1];
	p0 =	sne.s32 s2, $0x0  }
0x70: {  	s3 =	rddreg [dreg:$0x2];
	[bflag:$0x3] =	sbarrier.arrive $0xFFFF;
	s2 =	simm.s32 @!p0 $0x1C01  }
0x71: {  	[timem:s3], [sflag:s2] =	dma.local @!p0 [hbm:s0], s1  }
0x72: {  	s0 =	simm.s32 @!p0 $0x1  }
0x73: {  	_ =	swait.ge @!p0 [sflag:s0], s1  }
0x74: {  	s1 =	ssub.s32 @!p0 $0x0, s1;
	[sflag:s0] =	ssyncset.done @!p0 $0x0  }
0x75: {  	[sflag:s0] =	ssyncadd.s32 @!p0 s1  }
0x76: {  	[bflag:$0x3] =	sbarrier.arrive $0xFFFF  }
0x77: {  	_ =	shalt  }

// kernel: sparse-core-data-format-call.cloned.1.call-start
scs
called_computation_lowered:
.L_overlay_start_0:
0x0: {  	s1 =	sld [smem:$0x3FD9]  }
0x1: {  	s2 =	sld [smem:$0x3FFE];
	_ =	sdelay $0x1  }
0x2: {  	s3 =	srdreg.scid  }
0x3: {  	s0 =	sand.u32 $0x1, s3  }
0x4: {  	s17 =	sshll.u32 s0, $0xA;
	s1 =	sadd.s32 s2, s1  }
0x5: {  	s1 =	sadd.s32 s1, s17  }
0x6: {  	[smem:$0x3F91] =	sst s1  }
0x7: {  	_ = 	snop  }
0x8: {  	(tm) =	ssettm $0x1  }
0x9: {  	s18 =	sld [smem:$0x3FFB];
	_ =	sdelay $0x3  }
0xa: {  	_ =	strace s18  }
0xb: {  	s1 =	sld [smem:$0x3FFC];
	_ =	sdelay $0x3  }
0xc: {  	_ =	strace s1  }
0xd: {  	s1 =	sld [smem:$0x3FFD];
	_ =	sdelay $0x3  }
0xe: {  	_ =	strace s1  }
0xf: {  	_ =	strace $0x8FFFFFFF  }
0x10: {  	s19 =	sld [smem:$0x3FDB];
	_ =	sdelay $0x1  }
0x11: {  	s20 =	simm.s32 $_scs_section_size  }
0x12: {  	s4 =	simm.s32 $_size__tile_overlayer_lowered;
	s5 =	simm.s32 $_tile_overlayer_lowered  }
0x13: {  	s23 =	simm.s32 $0x1BFF;
	s22 =	sshll.u32 s5, $0x1;
	s1 =	sadd.s32 s20, s19  }
0x14: {  	s6 =	simm.s32 $0x0;
	s21 =	sshll.u32 s4, $0x1;
	s4 =	sadd.s32 s22, s1  }
0x15: {  	[timem:s6], [sflag:s23] =	dma.local [hbm:s4], s21  }
0x16: {  	_ =	swait.ge [sflag:s23], s21  }
0x17: {  	s2 =	ssub.s32 $0x0, s21;
	[sflag:s23] =	ssyncset.done $0x0  }
0x18: {  	[sflag:s23] =	ssyncadd.s32 s2;
	_ =	sdelay $0x1  }
0x19: {  	s24 =	simm.s32 $0x1B8B  }
0x1a: {  	_ =	swait.ge [sflag:s24], $0x1  }
0x1b: {  	[sflag:s24] =	ssyncset.done $0x0  }
0x1c: {  	s26 =	simm.s32 $0x1B8E;
	s25 =	sld [smem:$0x3FFE];
	[sflag:s24] =	ssyncadd.s32 $0xFFFFFFFF  }
0x1d: {  	s27 =	simm.s32 $execute0_lowered;
	[smem:$0x3FD2] =	sst s26  }
0x1e: {  	s4 =	sshll.u32 s27, $0x1;
	_ =	strace $0x80000049;
	[dreg:$0x1] =	wrdreg $0xFFFFFFFF  }
0x1f: {  	s28 =	simm.s32 $_size_execute0_lowered;
	s1 =	sadd.s32 s1, s4;
	[dreg:$0x0] =	wrdreg $0x0  }
0x20: {  	s4 =	sshll.u32 s28, $0x1;
	[dreg:$0x2] =	wrdreg s1  }
0x21: {  	[dreg:$0x3] =	wrdreg s4  }
0x22: {  	[dreg:$0x4] =	wrdreg $0xC0  }
0x23: {  	_ =	task [dreg:s6], $0x5FFFF  }
0x24: {  	[dreg:$0x1] =	wrdreg $0xFFFFFFFF  }
0x25: {  	[dreg:$0x0] =	wrdreg $0x60  }
0x26: {  	[dreg:$0x2] =	wrdreg s25  }
0x27: {  	[dreg:$0x3] =	wrdreg $0x9  }
0x28: {  	_ =	task.clear_ibuf [dreg:s6], $0x4FFFF;
	_ =	strace $0x90000049  }
0x29: {  	s29 =	simm.s32 $0x9;
	_ =	strace $0x8000004B  }
0x2a: {  	_ =	swait.ge [sflag:s29], $0x1  }
0x2b: {  	[sflag:s29] =	ssyncadd.s32 $0xFFFFFFFF  }
0x2c: {  	_ =	strace $0x9000004B  }
0x2d: {  	_ =	sfence  }
0x2e: {  	s30 =	sld [smem:$0x0];
	_ =	sdelay $0x2  }
0x2f: {  	s31 =	sshll.u32 s3, $0xD;
	s3 =	sshrl.u32 s3, $0x2  }
0x30: {  	s2 =	sand.u32 $0x4000, s31;
	s1 =	sadd.s32 s3, s30  }
0x31: {  	s0 =	sor.u32 s2, s0;
	s1 =	sshll.u32 s1, $0x11  }
0x32: {  	s0 =	sor.u32 s1, s0  }
0x33: {  	s0 =	sadd.s32 $0x8F2B, s0  }
0x34: {  	[sflag:s0] =	ssyncadd.remote.s32 $0x1  }
0x35: {  	_ =	sfence.sel $0xFFFF  }
0x36: {  	[dreg:$0x0] =	wrdreg $0xFFFFFFFF;
	(pc) =	sbr.abs _section_cstart, $3  }
0x37: {  	[dreg:$0x1] =	wrdreg $0xFFFFFFFF  }
0x38: {  	_ =	task.clear_ibuf [dreg:s6], $0x2FFFF;
	_ =	strace $0x9FFFFFFF  }
0x39: {  	(tm) =	ssettm $0x7FFFFFFF  }
tec
execute0_lowered:
.L_overlay_start_1:
0x0: {  	(tag) =	ssettag $0x1  }
0x1: {  	s1 =	rddreg [dreg:$0x0]  }
0x2: {  	s0 =	rddreg [dreg:$0x1];
	_ =	strace $0x8000004A  }
0x3: {  	s4 =	srdreg.scid;
	s6 =	simm.s32 $0x2;
	s15 =	simm.s32 $0x0  }
0x4: {  	s7 =	simm.s32 $0x48000;
	s16 =	simm.s32 $0x0;
	s17 =	simm.s32 $0x0  }
0x5: {  	s8 =	simm.s32 $0x0;
	s10 =	simm.s32 $0x0;
	s12 =	simm.s32 $0x0  }
.Ltmp0:
0x6: {  	s11 =	simm.s32 $0x0;
	s13 =	simm.s32 $0x0;
	(pc) =	sbr.rel .LBB1_1-.Ltmp0, $4  }
0x7: {  	s2 =	sadd.s32 $0x202C00, s1;
	s3 =	sadd.s32 $0x442C00, s1;
	s4 =	sshll.u32 s4, $0x4  }
0x8: {  	s1 =	stileid.u32;
	s5 =	sand.u32 $0x10, s4;
	s4 =	simm.s32 $0x1  }
0x9: {  	s9 =	simm.s32 $0x0;
	s5 =	sor.u32 s1, s5;
	[sflag:s4] =	ssyncpa.u1 $0x0  }
0xa: {  	[sflag:s6] =	ssyncpa.u1 $0x0;
	s6 =	simm.s32 $0x20;
	s14 =	smov.u32 s5  }
.LBB1_7:
0xb: {  	p0 =	slt.u32 s9, $0x2  }
0xc: {  	p1 =	sgt.s32 @!p0 s17, $0x3F  }
0xd: {  	s18 =	smov.u32 s17;
	s19 =	sshra.s32 @!p0 s17, $0x1F;
	p1 =	por !p1, p0  }
0xe: {  	p2 =	sgt.s32 @!p0 s16, $0x6;
	s17 =	sand.u32 @!p0 s19, s17;
	s18 =	simm.s32 @p1 $0x3F  }
0xf: {  	s20 =	smov.u32 s15;
	p2 =	por !p2, p0;
	s17 =	ssub.s32 @!p0 s18, s17  }
0x10: {  	s19 =	sshra.s32 @!p0 s16, $0x1F;
	s18 =	sadd.s32 @!p0 $0xFFFFFFC1, s17;
	s17 =	ssub.s32 @!p0 $0x40, s17  }
0x11: {  	p1 =	sgt.s32 @!p0 s18, $0x0;
	s18 =	smov.u32 s16;
	s16 =	sand.u32 @!p0 s19, s16  }
0x12: {  	s19 =	sshra.s32 @!p0 s15, $0x1F;
	s18 =	simm.s32 @p2 $0x6;
	p2 =	sgt.s32 @!p0 s15, $0x8  }
0x13: {  	s17 =	smul.u32 @!p0 $0xA00, s17;
	p2 =	por !p2, p0;
	s16 =	ssub.s32 @!p0 s18, s16  }
0x14: {  	s15 =	sand.u32 @!p0 s19, s15;
	s20 =	simm.s32 @p2 $0x8;
	s18 =	sadd.s32 @!p0 $0xFFFFFFFA, s16  }
0x15: {  	p1 =	por !p1, p0;
	s15 =	ssub.s32 @!p0 s20, s15;
	p2 =	sgt.s32 @!p0 s18, $0x1  }
0x16: {  	s16 =	ssub.s32 @!p0 $0x8, s16;
	s19 =	sadd.s32 @!p0 $0xFFFFFFF8, s15;
	p2 =	por !p2, p0  }
0x17: {  	s17 =	simm.s32 @!p1 $0x0;
	s16 =	simm.s32 @!p2 $0x0;
	p2 =	sgt.s32 @!p0 s19, $0x0  }
0x18: {  	s15 =	ssub.s32 @!p0 $0x9, s15;
	p1 =	por !p2, p0;
	s16 =	smul.u32 @!p0 s16, s17  }
0x19: {  	s18 =	sadd.s32 $0x1, s11;
	s19 =	smov.u32 s13;
	s15 =	simm.s32 @!p1 $0x0  }
0x1a: {  	p1 =	sgt.s32 s18, $0x8;
	s15 =	smul.u32 @!p0 s15, s16;
	s16 =	sadd.s32 $0x2, s13  }
0x1b: {  	s19 =	smov.u32 @p1 s16  }
0x1c: {  	s21 =	smov.u32 s14;
	s16 =	sadd.s32 $0x20, s14;
	p2 =	sgt.s32 s19, $0x7  }
0x1d: {  	s9 =	sadd.s32 $0x1, s9;
	s21 =	smov.u32 @p2 s16  }
0x1e: {  	s20 =	simm.s32 @!p0 $0x2;
	s18 =	simm.s32 @p1 $0x0;
	p1 =	sgt.s32 s21, $0x3F  }
0x1f: {  	s17 =	smov.u32 s12;
	s21 =	smov.u32 @p1 s5;
	p1 =	sne.s32 s9, $0x4A  }
.Ltmp1:
0x20: {  	s12 =	smov.u32 s14;
	s15 =	sand.u32 @!p0 $0x3FFFFE00, s15;
	(pc) =	sbr.rel @!p1 .LBB1_8-.Ltmp1, $4  }
0x21: {  	_ =	swait.ge @!p0 [sflag:s20], s15;
	s22 =	ssub.s32 @!p0 $0x0, s15;
	s15 =	smov.u32 s8  }
0x22: {  	s16 =	smov.u32 s10;
	s19 =	simm.s32 @p2 $0x0;
	s8 =	smov.u32 s11  }
0x23: {  	s10 =	smov.u32 s13;
	s11 =	smov.u32 s18;
	[sflag:s20] =	ssyncset.done @!p0 $0x0  }
0x24: {  	s13 =	smov.u32 s19;
	[sflag:s20] =	ssyncadd.s32 @!p0 s22;
	s14 =	smov.u32 s21  }
.LBB1_1:
0x25: {  	p0 =	sgt.u32 s9, $0x47  }
0x26: {  	s18 =	smul.u32 @!p0 $0x9000, s14  }
0x27: {  	s19 =	smul.u32 @!p0 $0x1200, s13  }
0x28: {  	s20 =	sxor.u32 @!p0 $0xFFFFFFFF, s9;
	s21 =	sshll.u32 @!p0 s11, $0x9;
	s18 =	sadd.s32 @!p0 s2, s18  }
0x29: {  	s18 =	sadd.s32 @!p0 s19, s18;
	s19 =	sshll.u32 @!p0 s20, $0xD;
	s20 =	simm.s32 @!p0 $0x1000  }
0x2a: {  	s18 =	sadd.s32 @!p0 s21, s18;
	s19 =	sand.u32 @!p0 $0x2000, s19;
	s21 =	simm.s32 @!p0 $0x9000  }
0x2b: {  	[tilespmem:s19], [sflag:$0x1] =	stream.strided.gather @!p0 [hbm4b:s18+s20], $0x2000, s21, s20, $0x38;
	[tilespmem:$0x8200] =	vst v63  }
0x2c: {  	p0 =	seq.s32 s9, $0x0  }
0x2d: {  	p1 =	seq.s32 @!p0 s9, $0x49  }
0x2e: {  	p0 =	por p0, p1  }
.Ltmp2:
0x2f: {  	_ = 	snop;
	(pc) =	sbr.rel @p0 .LBB1_7-.Ltmp2, $1  }
0x30: {  	_ =	sdelay $0x3  }
0x31: {  	s18 =	sand.u32 $0x1, s9  }
0x32: {  	_ =	swait.ge [sflag:s4], $0x2000;
	s19 =	smul.u32 $0x8400, s18  }
0x33: {  	[sflag:s4] =	ssyncset.done $0x0  }
0x34: {  	[sflag:s4] =	ssyncadd.s32 $0xFFFFE000;
	s20 =	sshrl.u32 s19, $0x2  }
0x35: {  	s19 =	sshll.u32 s18, $0xD;
	s18 =	sor.u32 $0x4000, s20;
	s20 =	simm.s32 $0x0  }
.LBB1_3:
0x36: {  	s21 =	sshll.u32 s20, $0x7  }
0x37: {  	s22 =	sshll.u32 s20, $0x6;
	s21 =	sand.u32 $0xC00, s21  }
0x38: {  	s22 =	sand.u32 $0x180, s22;
	s23 =	sadd.s32 s21, s19  }
0x39: {  	s23 =	sadd.s32 s22, s23  }
0x3a: {  	s21 =	sshll.u32 s20, $0x1;
	v0 =	vmov s23  }
0x3b: {  	s31 =	sor.u32 $0x2, s21  }
0x3c: {  	p0 =	por $0x1, $0x1;
	s22 =	sshrl.u32 s31, $0x1;
	s23 =	simm.s32 $0x0  }
.LBB1_4:
0x3d: {  	s24 =	sshll.u32 s23, $0x2  }
0x3e: {  	s25 =	sand.u32 $0x3FFFFFFC, s24  }
0x3f: {  	v1 =	vld.idx.msk [tilespmem:v0+s25+$0x0 ss:$0x1], $0xffff  }
0x40: {  	v2 =	vld.idx.msk [tilespmem:v0+s25+$0x1000 ss:$0x1], $0xffff  }
0x41: {  	v3 =	vld.idx.msk [tilespmem:v0+s25+$0x10 ss:$0x1], $0xffff  }
0x42: {  	s29 =	smul.u32 $0x84, s23;
	v4 =	vld.idx.msk [tilespmem:v0+s25+$0x1010 ss:$0x1], $0xffff  }
0x43: {  	v5 =	vld.idx.msk [tilespmem:v0+s25+$0x20 ss:$0x1], $0xffff  }
0x44: {  	s23 =	sshra.s32 s29, $0x2;
	v6 =	vld.idx.msk [tilespmem:v0+s25+$0x1020 ss:$0x1], $0xffff  }
0x45: {  	v9 =	vld.idx.msk [tilespmem:v0+s25+$0x30 ss:$0x1], $0xffff;
	s24 =	sadd.s32 s23, s18;
	s23 =	sshrl.u32 s21, $0x1;
	v7 =	vunpack.i.l.s16.s32 v1;
	v8 =	vunpack.i.l.s16.s32 v2  }
0x46: {  	v51 =	vld.idx.msk [tilespmem:v0+s25+$0x1030 ss:$0x1], $0xffff;
	s26 =	sadd.s32 s23, s24;
	v1 =	vunpack.i.u.s16.s32 v1;
	v2 =	vunpack.i.u.s16.s32 v2;
	v7 =	vpack.i.b32.b16 v8, v7  }
0x47: {  	v10 =	vld.idx.msk [tilespmem:v0+s25+$0x40 ss:$0x1], $0xffff;
	s30 =	sadd.s32 s22, s24;
	s27 =	sadd.s32 $0x210, s24;
	v52 =	vunpack.i.l.s16.s32 v4;
	v1 =	vpack.i.b32.b16 v2, v1;
	v2 =	vunpack.i.l.s16.s32 v3;
	[tilespmem:s26+$0x0 ss:$0x21] =	vst.msk $0xffff, v7  }
0x48: {  	v53 =	vld.idx.msk [tilespmem:v0+s25+$0x1040 ss:$0x1], $0xffff;
	s31 =	sadd.s32 s23, s27;
	v2 =	vpack.i.b32.b16 v52, v2;
	[tilespmem:s30+$0x0 ss:$0x21] =	vst.msk $0xffff, v1;
	v1 =	vunpack.i.u.s16.s32 v3;
	v3 =	vunpack.i.u.s16.s32 v4  }
0x49: {  	v54 =	vld.idx.msk [tilespmem:v0+s25+$0x50 ss:$0x1], $0xffff;
	s29 =	sadd.s32 $0x420, s24;
	s28 =	sadd.s32 s22, s27;
	[tilespmem:s31+$0x0 ss:$0x21] =	vst.msk $0xffff, v2;
	v2 =	vunpack.i.l.s16.s32 v5;
	v1 =	vpack.i.b32.b16 v3, v1;
	v3 =	vunpack.i.l.s16.s32 v6  }
0x4a: {  	v55 =	vunpack.i.u.s16.s32 v6;
	s30 =	sadd.s32 s23, s29;
	[tilespmem:s28+$0x0 ss:$0x21] =	vst.msk $0xffff, v1;
	v1 =	vunpack.i.u.s16.s32 v5;
	v2 =	vpack.i.b32.b16 v3, v2;
	v3 =	vld.idx.msk [tilespmem:v0+s25+$0x1050 ss:$0x1], $0xffff  }
0x4b: {  	v57 =	vld.idx.msk [tilespmem:v0+s25+$0x60 ss:$0x1], $0xffff;
	v56 =	vunpack.i.l.s16.s32 v51;
	s31 =	sadd.s32 s22, s29;
	s28 =	sadd.s32 $0x630, s24;
	[tilespmem:s30+$0x0 ss:$0x21] =	vst.msk $0xffff, v2;
	v1 =	vpack.i.b32.b16 v55, v1;
	v2 =	vunpack.i.l.s16.s32 v9  }
0x4c: {  	v58 =	vld.idx.msk [tilespmem:v0+s25+$0x1060 ss:$0x1], $0xffff;
	v8 =	vunpack.i.u.s16.s32 v51;
	s29 =	sadd.s32 s23, s28;
	[tilespmem:s31+$0x0 ss:$0x21] =	vst.msk $0xffff, v1;
	v1 =	vunpack.i.u.s16.s32 v9;
	v2 =	vpack.i.b32.b16 v56, v2  }
0x4d: {  	v60 =	vld.idx.msk [tilespmem:v0+s25+$0x70 ss:$0x1], $0xffff;
	v59 =	vunpack.i.l.s16.s32 v53;
	s30 =	sadd.s32 s22, s28;
	s31 =	sadd.s32 $0x840, s24;
	[tilespmem:s29+$0x0 ss:$0x21] =	vst.msk $0xffff, v2;
	v1 =	vpack.i.b32.b16 v8, v1;
	v2 =	vunpack.i.l.s16.s32 v10  }
0x4e: {  	v61 =	vld.idx.msk [tilespmem:v0+s25+$0x1070 ss:$0x1], $0xffff;
	v4 =	vunpack.i.u.s16.s32 v53;
	s28 =	sadd.s32 s23, s31;
	[tilespmem:s30+$0x0 ss:$0x21] =	vst.msk $0xffff, v1;
	v1 =	vunpack.i.u.s16.s32 v10;
	v2 =	vpack.i.b32.b16 v59, v2  }
0x4f: {  	s29 =	sadd.s32 s22, s31;
	s30 =	sadd.s32 $0xA50, s24;
	[tilespmem:s28+$0x0 ss:$0x21] =	vst.msk $0xffff, v2;
	v1 =	vpack.i.b32.b16 v4, v1;
	v2 =	vunpack.i.l.s16.s32 v54;
	v62 =	vunpack.i.l.s16.s32 v3  }
0x50: {  	v3 =	vunpack.i.u.s16.s32 v3;
	s31 =	sadd.s32 s23, s30;
	[tilespmem:s29+$0x0 ss:$0x21] =	vst.msk $0xffff, v1;
	v1 =	vpack.i.b32.b16 v62, v2;
	v2 =	vunpack.i.u.s16.s32 v54  }
0x51: {  	p1 =	por p0, p0;
	s27 =	sadd.s32 s22, s30;
	s28 =	sadd.s32 $0xC60, s24;
	[tilespmem:s31+$0x0 ss:$0x21] =	vst.msk $0xffff, v1;
	v1 =	vpack.i.b32.b16 v3, v2;
	v2 =	vunpack.i.l.s16.s32 v57;
	v3 =	vunpack.i.l.s16.s32 v58  }
.Ltmp3:
0x52: {  	s29 =	sadd.s32 s23, s28;
	[tilespmem:s27+$0x0 ss:$0x21] =	vst.msk $0xffff, v1;
	v1 =	vpack.i.b32.b16 v3, v2;
	v2 =	vunpack.i.u.s16.s32 v57;
	v3 =	vunpack.i.u.s16.s32 v58;
	(pc) =	sbr.rel @p1 .LBB1_4-.Ltmp3, $4  }
0x53: {  	s24 =	sadd.s32 $0xE70, s24;
	s30 =	sadd.s32 s22, s28;
	[tilespmem:s29+$0x0 ss:$0x21] =	vst.msk $0xffff, v1;
	v1 =	vpack.i.b32.b16 v3, v2;
	v2 =	vunpack.i.l.s16.s32 v60;
	v3 =	vunpack.i.l.s16.s32 v61  }
0x54: {  	v63 =	vunpack.i.u.s16.s32 v61;
	s23 =	sadd.s32 s23, s24;
	[tilespmem:s30+$0x0 ss:$0x21] =	vst.msk $0xffff, v1;
	v1 =	vunpack.i.u.s16.s32 v60;
	v2 =	vpack.i.b32.b16 v3, v2  }
0x55: {  	s31 =	sadd.s32 s22, s24;
	[tilespmem:s23+$0x0 ss:$0x21] =	vst.msk $0xffff, v2;
	v1 =	vpack.i.b32.b16 v63, v1  }
0x56: {  	p0 =	por $0x0, $0x0;
	s23 =	simm.s32 $0x80;
	[tilespmem:s31+$0x0 ss:$0x21] =	vst.msk $0xffff, v1  }
0x57: {  	p0 =	slt.u32 s20, $0x1E  }
.Ltmp4:
0x58: {  	_ = 	snop;
	(pc) =	sbr.rel @p0 .LBB1_3-.Ltmp4, $3  }
0x59: {  	_ =	sdelay $0x1  }
0x5a: {  	s21 =	sadd.s32 $0x2, s20  }
0x5b: {  	s20 =	smov.u32 s21  }
0x5c: {  	p0 =	sgt.s32 s12, $0x3F;
	s19 =	smov.u32 s12;
	s20 =	sshra.s32 s12, $0x1F  }
0x5d: {  	s19 =	simm.s32 @!p0 $0x3F;
	s20 =	sand.u32 s20, s12  }
0x5e: {  	p1 =	sgt.s32 s10, $0x6;
	s21 =	sshra.s32 s10, $0x1F;
	s19 =	ssub.s32 s19, s20  }
0x5f: {  	s22 =	smov.u32 s8;
	s23 =	sshra.s32 s8, $0x1F;
	s20 =	sadd.s32 $0xFFFFFFC1, s19  }
0x60: {  	s29 =	smul.u32 $0x240, s12;
	p0 =	sgt.s32 s20, $0x0;
	s20 =	smov.u32 s10  }
0x61: {  	s21 =	sand.u32 s21, s10;
	s27 =	sand.u32 s23, s8;
	s20 =	simm.s32 @!p1 $0x6  }
0x62: {  	s19 =	ssub.s32 $0x40, s19;
	p1 =	sgt.s32 s8, $0x8;
	s20 =	ssub.s32 s20, s21  }
0x63: {  	s19 =	smul.u32 $0xA00, s19;
	s22 =	simm.s32 @!p1 $0x8;
	s28 =	sadd.s32 $0xFFFFFFFA, s20  }
0x64: {  	s21 =	ssub.s32 s22, s27;
	s20 =	ssub.s32 $0x8, s20;
	p1 =	sgt.s32 s28, $0x1  }
0x65: {  	s19 =	simm.s32 @p0 $0x0;
	s22 =	sadd.s32 $0xFFFFFFF8, s21;
	s20 =	simm.s32 @p1 $0x0  }
0x66: {  	s21 =	ssub.s32 $0x9, s21;
	p0 =	sgt.s32 s22, $0x0;
	s19 =	smul.u32 s20, s19  }
.Ltmp5:
0x67: {  	s30 =	sshll.u32 s8, $0x6;
	s21 =	simm.s32 @p0 $0x0;
	(pc) =	sbr.rel .LBB1_7-.Ltmp5, $4  }
0x68: {  	s31 =	sshll.u32 s10, $0x3;
	s20 =	sadd.s32 s3, s29;
	s19 =	smul.u32 s21, s19  }
0x69: {  	s22 =	sand.u32 $0x30, s31;
	s20 =	sadd.s32 s30, s20  }
0x6a: {  	s20 =	sadd.s32 s22, s20;
	s19 =	sand.u32 $0x3FFFFE00, s19  }
0x6b: {  	[hbm4b:s20+s6] =	stream.strided.scatter [tilespmem:s18], [sflag:$0x2], s19, s7, s6, $0x10;
	[tilespmem:$0x8200] =	vst v63  }
.LBB1_8:
0x6c: {  	_ =	sfence.sel $0x180000  }
0x6d: {  	s2 =	simm.s32 $0x1;
	[bflag:$0x0] =	sbarrier.arrive $0xFFFF  }
0x6e: {  	s31 =	simm.s32 $0x2;
	[sflag:s2] =	ssyncpa.u1 $0x1  }
0x6f: {  	[sflag:s31] =	ssyncpa.u1 $0x1  }
0x70: {  	p0 =	sne.s32 s1, $0x0;
	_ =	strace $0x9000004A  }
0x71: {  	s0 =	sadd.s32 @!p0 $0x100000, s0;
	[bflag:$0x2] =	sbarrier.arrive $0xFFFF  }
0x72: {  	[sflag:s0] =	ssyncadd.tile.s32 @!p0 $0x1;
	_ =	shalt  }
.Lfunc_end1:
_tile_overlayer_lowered:
.L_overlay_start_2:
0x73: {  	(tag) =	ssettag $0x2  }
0x74: {  	s0 =	rddreg [dreg:$0x0];
	s2 =	stileid.u32  }
0x75: {  	s1 =	rddreg [dreg:$0x1];
	p0 =	sne.s32 s2, $0x0  }
0x76: {  	s3 =	rddreg [dreg:$0x2];
	[bflag:$0x3] =	sbarrier.arrive $0xFFFF;
	s2 =	simm.s32 @!p0 $0x1C01  }
0x77: {  	[timem:s3], [sflag:s2] =	dma.local @!p0 [hbm:s0], s1  }
0x78: {  	s0 =	simm.s32 @!p0 $0x1  }
0x79: {  	_ =	swait.ge @!p0 [sflag:s0], s1  }
0x7a: {  	s1 =	ssub.s32 @!p0 $0x0, s1;
	[sflag:s0] =	ssyncset.done @!p0 $0x0  }
0x7b: {  	[sflag:s0] =	ssyncadd.s32 @!p0 s1  }
0x7c: {  	[bflag:$0x3] =	sbarrier.arrive $0xFFFF  }
0x7d: {  	_ =	shalt  }

</sc_bundles>
